<compile_context>
chip_gen: v7x
topology: tpu7x:2x2x1
jax: 0.10.2.dev20260603
libtpu: 0.0.44.dev20260713+nightly
codegen_flags: <defaults>
</compile_context>

<pallas_src>
import functools

import jax
import jax.numpy as jnp
from jax import lax
from jax.experimental import pallas as pl
from jax.experimental.pallas import tpu as pltpu
from jax.experimental.pallas import tpu_sc as plsc

N = 100000
E = 3200000
D = 16

NC = 2
NS = 16
CE = 512
NCH = E // CE

NP = 100032

ZSLICE = 6256
ZTAIL = N - 15 * ZSLICE


def _sc_segment_sum(dst1d, polar, zsum):
    mesh = plsc.VectorSubcoreMesh(core_axis_name="c", subcore_axis_name="s")

    @functools.partial(
        pl.kernel,
        out_type=[
            jax.ShapeDtypeStruct((NC, NP, D), jnp.float32),
            jax.ShapeDtypeStruct((N,), jnp.float32),
            jax.ShapeDtypeStruct((N,), jnp.float32),
        ],
        mesh=mesh,
        compiler_params=pltpu.CompilerParams(use_tc_tiling_on_sc=False),
        scratch_types=[
            pltpu.VMEM((CE,), jnp.int32),
            pltpu.VMEM((CE,), jnp.int32),
            pltpu.VMEM((CE, D), jnp.float32),
            pltpu.VMEM((CE, D), jnp.float32),
            pltpu.VMEM((CE,), jnp.float32),
            pltpu.VMEM_SHARED((N, D), jnp.float32),
            pltpu.VMEM_SHARED((N,), jnp.float32),
            pltpu.SemaphoreType.DMA,
            pltpu.SemaphoreType.DMA,
            pltpu.SemaphoreType.DMA,
            pltpu.SemaphoreType.DMA,
        ],
    )
    def k(dst_hbm, polar_hbm, zsum_hbm, zcnt_hbm, sums_out, cnt0_out,
          cnt1_out, idx0_v, idx1_v, rows0_v, rows1_v, ones_v, acc_s, acc_c,
          ld0_sem, ld1_sem, st0_sem, st1_sem):
        c = lax.axis_index("c")
        s = lax.axis_index("s")

        one16 = jnp.ones((16,), jnp.float32)

        @pl.loop(0, CE // 16)
        def _(j):
            ones_v[pl.ds(j * 16, 16)] = one16

        off = s * ZSLICE

        @pl.when(s < NS - 1)
        def _():
            pltpu.sync_copy(zsum_hbm.at[pl.ds(off, ZSLICE)],
                            acc_s.at[pl.ds(off, ZSLICE)])
            pltpu.sync_copy(zcnt_hbm.at[pl.ds(off, ZSLICE)],
                            acc_c.at[pl.ds(off, ZSLICE)])

        @pl.when(s == NS - 1)
        def _():
            pltpu.sync_copy(zsum_hbm.at[pl.ds(off, ZTAIL)],
                            acc_s.at[pl.ds(off, ZTAIL)])
            pltpu.sync_copy(zcnt_hbm.at[pl.ds(off, ZTAIL)],
                            acc_c.at[pl.ds(off, ZTAIL)])

        plsc.subcore_barrier()

        w = c * NS + s
        ch0 = (w * NCH) // (NC * NS)
        ch1 = ((w + 1) * NCH) // (NC * NS)
        npairs = (ch1 - ch0) // 2

        def do_chunk(t, idx_v, rows_v, ld_sem, st_sem):
            base = t * CE
            a = pltpu.async_copy(dst_hbm.at[pl.ds(base, CE)], idx_v, ld_sem)
            b = pltpu.async_copy(polar_hbm.at[pl.ds(base, CE)], rows_v,
                                 ld_sem)

            def fire():
                a.wait()
                q = pltpu.async_copy(ones_v, acc_c.at[idx_v], st_sem,
                                     add=True)
                b.wait()
                p = pltpu.async_copy(rows_v, acc_s.at[idx_v], st_sem,
                                     add=True)
                return p, q

            return fire

        def pair_body(pi, carry):
            t0 = ch0 + 2 * pi
            f0 = do_chunk(t0, idx0_v, rows0_v, ld0_sem, st0_sem)
            f1 = do_chunk(t0 + 1, idx1_v, rows1_v, ld1_sem, st1_sem)
            p0, q0 = f0()
            p1, q1 = f1()
            p0.wait()
            q0.wait()
            p1.wait()
            q1.wait()
            return carry

        lax.fori_loop(0, npairs, pair_body, 0)

        @pl.when(ch0 + 2 * npairs < ch1)
        def _():
            f0 = do_chunk(ch0 + 2 * npairs, idx0_v, rows0_v, ld0_sem,
                          st0_sem)
            p0, q0 = f0()
            p0.wait()
            q0.wait()

        plsc.subcore_barrier()

        sl = pl.ds(off, ZSLICE)
        tl = pl.ds(off, ZTAIL)

        @pl.when(s < NS - 1)
        def _():
            pltpu.sync_copy(acc_s.at[sl], sums_out.at[c, sl])

            @pl.when(c == 0)
            def _():
                pltpu.sync_copy(acc_c.at[sl], cnt0_out.at[sl])

            @pl.when(c == 1)
            def _():
                pltpu.sync_copy(acc_c.at[sl], cnt1_out.at[sl])

        @pl.when(s == NS - 1)
        def _():
            pltpu.sync_copy(acc_s.at[tl], sums_out.at[c, tl])

            @pl.when(c == 0)
            def _():
                pltpu.sync_copy(acc_c.at[tl], cnt0_out.at[tl])

            @pl.when(c == 1)
            def _():
                pltpu.sync_copy(acc_c.at[tl], cnt1_out.at[tl])

    zcnt = jnp.zeros((N,), jnp.float32)
    return k(dst1d, polar, zsum, zcnt)


BN = 4000


def _combine_body(sums_ref, cnt0_ref, cnt1_ref, nd_ref, out_ref):
    ssum = sums_ref[0] + sums_ref[1]
    cnt = (cnt0_ref[0, 0, :] + cnt1_ref[0, 0, :])[:, None]
    mean = ssum / jnp.maximum(cnt, 1.0)
    out_ref[...] = jnp.where(cnt > 0.0, mean, nd_ref[...])


def _combine(sums, cnt0, cnt1, ndata):
    return pl.pallas_call(
        _combine_body,
        grid=(N // BN,),
        in_specs=[
            pl.BlockSpec((NC, BN, D), lambda i: (0, i, 0)),
            pl.BlockSpec((1, 1, BN), lambda i: (i, 0, 0)),
            pl.BlockSpec((1, 1, BN), lambda i: (i, 0, 0)),
            pl.BlockSpec((BN, D), lambda i: (i, 0)),
        ],
        out_specs=pl.BlockSpec((BN, D), lambda i: (i, 0)),
        out_shape=jax.ShapeDtypeStruct((N, D), jnp.float32),
    )(sums, cnt0.reshape(N // BN, 1, BN), cnt1.reshape(N // BN, 1, BN), ndata)


def kernel(ndata, edge_index, polar):
    dst1d = edge_index[1]
    zsum = jnp.zeros((N, D), jnp.float32)
    sums, cnt0, cnt1 = _sc_segment_sum(dst1d, polar, zsum)
    return _combine(sums, cnt0, cnt1, ndata)

# --- scband reference (transcript-rebuilt; emitter-appended) ---
"""Pipeline reference for scband-gcnlayer-32444182954420 (READ-ONLY COPY).

The authoritative reference and input builder live on the scoring server;
editing this copy changes nothing except your own understanding.
"""

import jax, jax.numpy as jnp
import numpy as np

N = 100000
E = 3200000
D = 16

def setup_inputs(seed: int = 0) -> dict:
    key = jax.random.key(seed)
    k1, k2, k3 = jax.random.split(key, 3)
    ndata = jax.random.normal(k1, (N, D), dtype=jnp.float32)
    edge_index = jax.random.randint(k2, (2, E), 0, N, dtype=jnp.int32)
    polar = jax.random.normal(k3, (E, D), dtype=jnp.float32)
    return {"ndata": ndata, "edge_index": edge_index, "polar": polar}

def reference(ndata, edge_index, polar):
    # DGL update_all semantics with UDF message = edge feature 'polar',
    # UDF reduce = mean over mailbox per destination node.
    # Zero in-degree nodes keep their pre-set ndata value ('h' was initialized to ndata).
    dst = edge_index[1]
    sums = jnp.zeros((N, D), dtype=jnp.float32).at[dst].add(polar)
    counts = jnp.zeros((N,), dtype=jnp.float32).at[dst].add(1.0)
    mean = sums / jnp.maximum(counts, 1.0)[:, None]
    h = jnp.where((counts > 0)[:, None], mean, ndata)
    return h

if __name__ == "__main__":
    import jax
    _d = setup_inputs()
    print(jax.jit(kernel)(*tuple(_d.values())))

</pallas_src>

<mosaic_0001>
#map = affine_map<(d0, d1) -> (0)>
#map1 = affine_map<(d0, d1) -> (0, 0)>
#map2 = affine_map<(d0, d1) -> (0, 0, 0)>
module attributes {stable_mosaic.version = 14 : i64} {
  func.func @k(%arg0: i32, %arg1: i32, %arg2: memref<3200000xi32, #tpu.memory_space<hbm>>, %arg3: memref<3200000x16xf32, #tpu.memory_space<hbm>>, %arg4: memref<100000x16xf32, #tpu.memory_space<hbm>>, %arg5: memref<100000xf32, #tpu.memory_space<hbm>>, %arg6: memref<2x100032x16xf32, #tpu.memory_space<hbm>>, %arg7: memref<100000xf32, #tpu.memory_space<hbm>>, %arg8: memref<100000xf32, #tpu.memory_space<hbm>>, %arg9: memref<512xi32, #tpu.memory_space<vmem>>, %arg10: memref<512xi32, #tpu.memory_space<vmem>>, %arg11: memref<512x16xf32, #tpu.memory_space<vmem>>, %arg12: memref<512x16xf32, #tpu.memory_space<vmem>>, %arg13: memref<512xf32, #tpu.memory_space<vmem>>, %arg14: memref<100000x16xf32, #tpu.memory_space<vmem_shared>>, %arg15: memref<100000xf32, #tpu.memory_space<vmem_shared>>, %arg16: memref<!tpu.dma_semaphore, #tpu.memory_space<semaphore_mem>>, %arg17: memref<!tpu.dma_semaphore, #tpu.memory_space<semaphore_mem>>, %arg18: memref<!tpu.dma_semaphore, #tpu.memory_space<semaphore_mem>>, %arg19: memref<!tpu.dma_semaphore, #tpu.memory_space<semaphore_mem>>) attributes {dimension_semantics = [#tpu.dimension_semantics<core_parallel>, #tpu.dimension_semantics<subcore_parallel>], iteration_bounds = array<i64: 2, 16>, scalar_prefetch = 0 : i64, scratch_operands = 11 : i64, tpu.core_type = #tpu.core_type<sc_vector_subcore>, window_params = [{transform_indices = #map}, {transform_indices = #map1}, {transform_indices = #map1}, {transform_indices = #map}, {transform_indices = #map2}, {transform_indices = #map}, {transform_indices = #map}]} {
    %broadcast_in_dim3A = arith.constant 1.000000e+00 : f32
    %broadcast_in_dim3A_0 = vector.broadcast %broadcast_in_dim3A : f32 to vector<16xf32>
    %scan3A = arith.constant 0 : i32
    %scan3A_1 = arith.constant 32 : i32
    %scan3A_2 = arith.addi %scan3A, %scan3A_1 : i32
    %scan3A_3 = arith.constant 1 : i32
    scf.for %scan3A_112 = %scan3A to %scan3A_2 step %scan3A_3  : i32 {
      %mul3A_113 = arith.constant 1 : i32
      %mul3A_114 = arith.muli %scan3A_112, %mul3A_113 : i32
      %add3A_115 = arith.constant 0 : i32
      %add3A_116 = arith.addi %add3A_115, %mul3A_114 : i32
      %mul3A_117 = arith.constant 16 : i32
      %mul3A_118 = arith.muli %add3A_116, %mul3A_117 : i32
      %swap3A = arith.index_cast %mul3A_118 : i32 to index
      %swap3A_119 = tpu.vector_load %arg13[%swap3A] {strides = array<i32>} : memref<512xf32, #tpu.memory_space<vmem>>, vector<16xf32>,
      %swap3A_120 = vector.shape_cast %swap3A_119 : vector<16xf32> to vector<16xf32>
      %swap3A_121 = vector.shape_cast %broadcast_in_dim3A_0 : vector<16xf32> to vector<16xf32>
      tpu.vector_store %arg13[%swap3A], %swap3A_121 {strides = array<i32>} : memref<512xf32, #tpu.memory_space<vmem>>, vector<16xf32>,
    }
    %scan3A_4 = arith.constant 32 : i32
    %mul3A = arith.constant 6256 : i32
    %mul3A_5 = arith.muli %arg1, %mul3A : i32
    %lt3A = arith.constant 15 : i32
    %lt3A_6 = arith.cmpi slt, %arg1, %lt3A : i32
    %convert_element_type3A = arith.extui %lt3A_6 : i1 to i32
    %cond3A = arith.constant 0 : i32
    %cond3A_7 = arith.cmpi ne, %convert_element_type3A, %cond3A : i32
    scf.if %cond3A_7 {
      "tpu.region"() ({
        %run_scoped3A = tpu.sem_alloc : memref<!tpu.dma_semaphore, #tpu.memory_space<semaphore_mem>>
        %dma_start3A = arith.constant 0 : i32
        %dma_start3A_112 = tpu.memref_slice %arg14[%mul3A_5, %dma_start3A] : memref<100000x16xf32, #tpu.memory_space<vmem_shared>> -> memref<6256x16xf32, #tpu.memory_space<vmem_shared>>
        %dma_start3A_113 = arith.constant 0 : i32
        %dma_start3A_114 = tpu.memref_slice %arg4[%mul3A_5, %dma_start3A_113] : memref<100000x16xf32, #tpu.memory_space<hbm>> -> memref<6256x16xf32, #tpu.memory_space<hbm>>
        tpu.enqueue_dma source(%dma_start3A_114 : memref<6256x16xf32, #tpu.memory_space<hbm>>) target(%dma_start3A_112 : memref<6256x16xf32, #tpu.memory_space<vmem_shared>>) target_semaphore(%run_scoped3A : memref<!tpu.dma_semaphore, #tpu.memory_space<semaphore_mem>>)
        %dma_wait3A = arith.constant 0 : i32
        %dma_wait3A_115 = tpu.memref_slice %arg14[%mul3A_5, %dma_wait3A] : memref<100000x16xf32, #tpu.memory_space<vmem_shared>> -> memref<6256x16xf32, #tpu.memory_space<vmem_shared>>
        %dma_wait3A_116 = arith.constant 0 : i32
        %dma_wait3A_117 = tpu.memref_slice %arg4[%mul3A_5, %dma_wait3A_116] : memref<100000x16xf32, #tpu.memory_space<hbm>> -> memref<6256x16xf32, #tpu.memory_space<hbm>>
        tpu.wait_dma2 semaphore(%run_scoped3A : memref<!tpu.dma_semaphore, #tpu.memory_space<semaphore_mem>>) src(%dma_wait3A_117 : memref<6256x16xf32, #tpu.memory_space<hbm>>) dst(%dma_wait3A_115 : memref<6256x16xf32, #tpu.memory_space<vmem_shared>>)
        tpu.yield
      }) : () -> ()
      "tpu.region"() ({
        %run_scoped3A = tpu.sem_alloc : memref<!tpu.dma_semaphore, #tpu.memory_space<semaphore_mem>>
        %dma_start3A = tpu.memref_slice %arg15[%mul3A_5] : memref<100000xf32, #tpu.memory_space<vmem_shared>> -> memref<6256xf32, #tpu.memory_space<vmem_shared>>
        %dma_start3A_112 = tpu.memref_slice %arg5[%mul3A_5] : memref<100000xf32, #tpu.memory_space<hbm>> -> memref<6256xf32, #tpu.memory_space<hbm>>
        tpu.enqueue_dma source(%dma_start3A_112 : memref<6256xf32, #tpu.memory_space<hbm>>) target(%dma_start3A : memref<6256xf32, #tpu.memory_space<vmem_shared>>) target_semaphore(%run_scoped3A : memref<!tpu.dma_semaphore, #tpu.memory_space<semaphore_mem>>)
        %dma_wait3A = tpu.memref_slice %arg15[%mul3A_5] : memref<100000xf32, #tpu.memory_space<vmem_shared>> -> memref<6256xf32, #tpu.memory_space<vmem_shared>>
        %dma_wait3A_113 = tpu.memref_slice %arg5[%mul3A_5] : memref<100000xf32, #tpu.memory_space<hbm>> -> memref<6256xf32, #tpu.memory_space<hbm>>
        tpu.wait_dma2 semaphore(%run_scoped3A : memref<!tpu.dma_semaphore, #tpu.memory_space<semaphore_mem>>) src(%dma_wait3A_113 : memref<6256xf32, #tpu.memory_space<hbm>>) dst(%dma_wait3A : memref<6256xf32, #tpu.memory_space<vmem_shared>>)
        tpu.yield
      }) : () -> ()
    } else {
    }
    %eq3A = arith.constant 15 : i32
    %eq3A_8 = arith.cmpi eq, %arg1, %eq3A : i32
    %convert_element_type3A_9 = arith.extui %eq3A_8 : i1 to i32
    %cond3A_10 = arith.constant 0 : i32
    %cond3A_11 = arith.cmpi ne, %convert_element_type3A_9, %cond3A_10 : i32
    scf.if %cond3A_11 {
      "tpu.region"() ({
        %run_scoped3A = tpu.sem_alloc : memref<!tpu.dma_semaphore, #tpu.memory_space<semaphore_mem>>
        %dma_start3A = arith.constant 0 : i32
        %dma_start3A_112 = tpu.memref_slice %arg14[%mul3A_5, %dma_start3A] : memref<100000x16xf32, #tpu.memory_space<vmem_shared>> -> memref<6160x16xf32, #tpu.memory_space<vmem_shared>>
        %dma_start3A_113 = arith.constant 0 : i32
        %dma_start3A_114 = tpu.memref_slice %arg4[%mul3A_5, %dma_start3A_113] : memref<100000x16xf32, #tpu.memory_space<hbm>> -> memref<6160x16xf32, #tpu.memory_space<hbm>>
        tpu.enqueue_dma source(%dma_start3A_114 : memref<6160x16xf32, #tpu.memory_space<hbm>>) target(%dma_start3A_112 : memref<6160x16xf32, #tpu.memory_space<vmem_shared>>) target_semaphore(%run_scoped3A : memref<!tpu.dma_semaphore, #tpu.memory_space<semaphore_mem>>)
        %dma_wait3A = arith.constant 0 : i32
        %dma_wait3A_115 = tpu.memref_slice %arg14[%mul3A_5, %dma_wait3A] : memref<100000x16xf32, #tpu.memory_space<vmem_shared>> -> memref<6160x16xf32, #tpu.memory_space<vmem_shared>>
        %dma_wait3A_116 = arith.constant 0 : i32
        %dma_wait3A_117 = tpu.memref_slice %arg4[%mul3A_5, %dma_wait3A_116] : memref<100000x16xf32, #tpu.memory_space<hbm>> -> memref<6160x16xf32, #tpu.memory_space<hbm>>
        tpu.wait_dma2 semaphore(%run_scoped3A : memref<!tpu.dma_semaphore, #tpu.memory_space<semaphore_mem>>) src(%dma_wait3A_117 : memref<6160x16xf32, #tpu.memory_space<hbm>>) dst(%dma_wait3A_115 : memref<6160x16xf32, #tpu.memory_space<vmem_shared>>)
        tpu.yield
      }) : () -> ()
      "tpu.region"() ({
        %run_scoped3A = tpu.sem_alloc : memref<!tpu.dma_semaphore, #tpu.memory_space<semaphore_mem>>
        %dma_start3A = tpu.memref_slice %arg15[%mul3A_5] : memref<100000xf32, #tpu.memory_space<vmem_shared>> -> memref<6160xf32, #tpu.memory_space<vmem_shared>>
        %dma_start3A_112 = tpu.memref_slice %arg5[%mul3A_5] : memref<100000xf32, #tpu.memory_space<hbm>> -> memref<6160xf32, #tpu.memory_space<hbm>>
        tpu.enqueue_dma source(%dma_start3A_112 : memref<6160xf32, #tpu.memory_space<hbm>>) target(%dma_start3A : memref<6160xf32, #tpu.memory_space<vmem_shared>>) target_semaphore(%run_scoped3A : memref<!tpu.dma_semaphore, #tpu.memory_space<semaphore_mem>>)
        %dma_wait3A = tpu.memref_slice %arg15[%mul3A_5] : memref<100000xf32, #tpu.memory_space<vmem_shared>> -> memref<6160xf32, #tpu.memory_space<vmem_shared>>
        %dma_wait3A_113 = tpu.memref_slice %arg5[%mul3A_5] : memref<100000xf32, #tpu.memory_space<hbm>> -> memref<6160xf32, #tpu.memory_space<hbm>>
        tpu.wait_dma2 semaphore(%run_scoped3A : memref<!tpu.dma_semaphore, #tpu.memory_space<semaphore_mem>>) src(%dma_wait3A_113 : memref<6160xf32, #tpu.memory_space<hbm>>) dst(%dma_wait3A : memref<6160xf32, #tpu.memory_space<vmem_shared>>)
        tpu.yield
      }) : () -> ()
    } else {
    }
    %barrier3A = arith.constant 0 : index
    tpu.barrier barrier_id(%barrier3A)
    %mul3A_12 = arith.constant 16 : i32
    %mul3A_13 = arith.muli %arg0, %mul3A_12 : i32
    %add3A = arith.addi %mul3A_13, %arg1 : i32
    %mul3A_14 = arith.constant 6250 : i32
    %mul3A_15 = arith.muli %add3A, %mul3A_14 : i32
    %jit3A = arith.constant 32 : i32
    %div3A = arith.divsi %mul3A_15, %jit3A : i32
    %sign3A = arith.constant 0 : i32
    %sign3A_16 = arith.cmpi sgt, %mul3A_15, %sign3A : i32
    %sign3A_17 = arith.extui %sign3A_16 : i1 to i32
    %sign3A_18 = arith.constant 0 : i32
    %sign3A_19 = arith.cmpi slt, %mul3A_15, %sign3A_18 : i32
    %sign3A_20 = arith.extui %sign3A_19 : i1 to i32
    %sign3A_21 = arith.subi %sign3A_17, %sign3A_20 : i32
    %sign3A_22 = arith.constant 0 : i32
    %sign3A_23 = arith.cmpi sgt, %jit3A, %sign3A_22 : i32
    %sign3A_24 = arith.extui %sign3A_23 : i1 to i32
    %sign3A_25 = arith.constant 0 : i32
    %sign3A_26 = arith.cmpi slt, %jit3A, %sign3A_25 : i32
    %sign3A_27 = arith.extui %sign3A_26 : i1 to i32
    %sign3A_28 = arith.subi %sign3A_24, %sign3A_27 : i32
    %ne3A = arith.cmpi ne, %sign3A_21, %sign3A_28 : i32
    %rem3A = arith.remsi %mul3A_15, %jit3A : i32
    %ne3A_29 = arith.constant 0 : i32
    %ne3A_30 = arith.cmpi ne, %rem3A, %ne3A_29 : i32
    %and3A = arith.andi %ne3A, %ne3A_30 : i1
    %sub3A = arith.constant 1 : i32
    %sub3A_31 = arith.subi %div3A, %sub3A : i32
    %select_n3A = arith.select %and3A, %sub3A_31, %div3A : i32
    %add3A_32 = arith.constant 1 : i32
    %add3A_33 = arith.addi %add3A, %add3A_32 : i32
    %mul3A_34 = arith.constant 6250 : i32
    %mul3A_35 = arith.muli %add3A_33, %mul3A_34 : i32
    %jit3A_36 = arith.constant 32 : i32
    %div3A_37 = arith.divsi %mul3A_35, %jit3A_36 : i32
    %sign3A_38 = arith.constant 0 : i32
    %sign3A_39 = arith.cmpi sgt, %mul3A_35, %sign3A_38 : i32
    %sign3A_40 = arith.extui %sign3A_39 : i1 to i32
    %sign3A_41 = arith.constant 0 : i32
    %sign3A_42 = arith.cmpi slt, %mul3A_35, %sign3A_41 : i32
    %sign3A_43 = arith.extui %sign3A_42 : i1 to i32
    %sign3A_44 = arith.subi %sign3A_40, %sign3A_43 : i32
    %sign3A_45 = arith.constant 0 : i32
    %sign3A_46 = arith.cmpi sgt, %jit3A_36, %sign3A_45 : i32
    %sign3A_47 = arith.extui %sign3A_46 : i1 to i32
    %sign3A_48 = arith.constant 0 : i32
    %sign3A_49 = arith.cmpi slt, %jit3A_36, %sign3A_48 : i32
    %sign3A_50 = arith.extui %sign3A_49 : i1 to i32
    %sign3A_51 = arith.subi %sign3A_47, %sign3A_50 : i32
    %ne3A_52 = arith.cmpi ne, %sign3A_44, %sign3A_51 : i32
    %rem3A_53 = arith.remsi %mul3A_35, %jit3A_36 : i32
    %ne3A_54 = arith.constant 0 : i32
    %ne3A_55 = arith.cmpi ne, %rem3A_53, %ne3A_54 : i32
    %and3A_56 = arith.andi %ne3A_52, %ne3A_55 : i1
    %sub3A_57 = arith.constant 1 : i32
    %sub3A_58 = arith.subi %div3A_37, %sub3A_57 : i32
    %select_n3A_59 = arith.select %and3A_56, %sub3A_58, %div3A_37 : i32
    %sub3A_60 = arith.subi %select_n3A_59, %select_n3A : i32
    %jit3A_61 = arith.constant 2 : i32
    %div3A_62 = arith.divsi %sub3A_60, %jit3A_61 : i32
    %sign3A_63 = arith.constant 0 : i32
    %sign3A_64 = arith.cmpi sgt, %sub3A_60, %sign3A_63 : i32
    %sign3A_65 = arith.extui %sign3A_64 : i1 to i32
    %sign3A_66 = arith.constant 0 : i32
    %sign3A_67 = arith.cmpi slt, %sub3A_60, %sign3A_66 : i32
    %sign3A_68 = arith.extui %sign3A_67 : i1 to i32
    %sign3A_69 = arith.subi %sign3A_65, %sign3A_68 : i32
    %sign3A_70 = arith.constant 0 : i32
    %sign3A_71 = arith.cmpi sgt, %jit3A_61, %sign3A_70 : i32
    %sign3A_72 = arith.extui %sign3A_71 : i1 to i32
    %sign3A_73 = arith.constant 0 : i32
    %sign3A_74 = arith.cmpi slt, %jit3A_61, %sign3A_73 : i32
    %sign3A_75 = arith.extui %sign3A_74 : i1 to i32
    %sign3A_76 = arith.subi %sign3A_72, %sign3A_75 : i32
    %ne3A_77 = arith.cmpi ne, %sign3A_69, %sign3A_76 : i32
    %rem3A_78 = arith.remsi %sub3A_60, %jit3A_61 : i32
    %ne3A_79 = arith.constant 0 : i32
    %ne3A_80 = arith.cmpi ne, %rem3A_78, %ne3A_79 : i32
    %and3A_81 = arith.andi %ne3A_77, %ne3A_80 : i1
    %sub3A_82 = arith.constant 1 : i32
    %sub3A_83 = arith.subi %div3A_62, %sub3A_82 : i32
    %select_n3A_84 = arith.select %and3A_81, %sub3A_83, %div3A_62 : i32
    %while3A = arith.constant 0 : i32
    %while3A_85 = arith.constant 0 : i32
    %while3A_86 = arith.subi %select_n3A_84, %while3A_85 : i32
    %while3A_87 = arith.addi %while3A_85, %while3A_86 : i32
    %while3A_88 = arith.constant 1 : i32
    %while3A_89 = arith.divsi %while3A_86, %while3A_88 : i32
    %while3A_90 = arith.muli %while3A_89, %while3A_88 : i32
    %while3A_91 = arith.addi %while3A_85, %while3A_90 : i32
    %while3A_92 = arith.constant 1 : i32
    scf.for %while3A_112 = %while3A_85 to %while3A_91 step %while3A_92  : i32 {
      %mul3A_113 = arith.constant 2 : i32
      %mul3A_114 = arith.muli %mul3A_113, %while3A_112 : i32
      %add3A_115 = arith.addi %select_n3A, %mul3A_114 : i32
      %mul3A_116 = arith.constant 512 : i32
      %mul3A_117 = arith.muli %add3A_115, %mul3A_116 : i32
      %dma_start3A = tpu.memref_slice %arg2[%mul3A_117] : memref<3200000xi32, #tpu.memory_space<hbm>> -> memref<512xi32, #tpu.memory_space<hbm>>
      %dma_start3A_118 = tpu.memref_slice %arg2[%mul3A_117] : memref<3200000xi32, #tpu.memory_space<hbm>> -> memref<512xi32, #tpu.memory_space<hbm>>
      tpu.enqueue_dma source(%dma_start3A_118 : memref<512xi32, #tpu.memory_space<hbm>>) target(%arg9 : memref<512xi32, #tpu.memory_space<vmem>>) target_semaphore(%arg16 : memref<!tpu.dma_semaphore, #tpu.memory_space<semaphore_mem>>)
      %dma_start3A_119 = arith.constant 0 : i32
      %dma_start3A_120 = tpu.memref_slice %arg3[%mul3A_117, %dma_start3A_119] : memref<3200000x16xf32, #tpu.memory_space<hbm>> -> memref<512x16xf32, #tpu.memory_space<hbm>>
      %dma_start3A_121 = arith.constant 0 : i32
      %dma_start3A_122 = tpu.memref_slice %arg3[%mul3A_117, %dma_start3A_121] : memref<3200000x16xf32, #tpu.memory_space<hbm>> -> memref<512x16xf32, #tpu.memory_space<hbm>>
      tpu.enqueue_dma source(%dma_start3A_122 : memref<512x16xf32, #tpu.memory_space<hbm>>) target(%arg11 : memref<512x16xf32, #tpu.memory_space<vmem>>) target_semaphore(%arg16 : memref<!tpu.dma_semaphore, #tpu.memory_space<semaphore_mem>>)
      %add3A_123 = arith.constant 1 : i32
      %add3A_124 = arith.addi %add3A_115, %add3A_123 : i32
      %mul3A_125 = arith.constant 512 : i32
      %mul3A_126 = arith.muli %add3A_124, %mul3A_125 : i32
      %dma_start3A_127 = tpu.memref_slice %arg2[%mul3A_126] : memref<3200000xi32, #tpu.memory_space<hbm>> -> memref<512xi32, #tpu.memory_space<hbm>>
      %dma_start3A_128 = tpu.memref_slice %arg2[%mul3A_126] : memref<3200000xi32, #tpu.memory_space<hbm>> -> memref<512xi32, #tpu.memory_space<hbm>>
      tpu.enqueue_dma source(%dma_start3A_128 : memref<512xi32, #tpu.memory_space<hbm>>) target(%arg10 : memref<512xi32, #tpu.memory_space<vmem>>) target_semaphore(%arg17 : memref<!tpu.dma_semaphore, #tpu.memory_space<semaphore_mem>>)
      %dma_start3A_129 = arith.constant 0 : i32
      %dma_start3A_130 = tpu.memref_slice %arg3[%mul3A_126, %dma_start3A_129] : memref<3200000x16xf32, #tpu.memory_space<hbm>> -> memref<512x16xf32, #tpu.memory_space<hbm>>
      %dma_start3A_131 = arith.constant 0 : i32
      %dma_start3A_132 = tpu.memref_slice %arg3[%mul3A_126, %dma_start3A_131] : memref<3200000x16xf32, #tpu.memory_space<hbm>> -> memref<512x16xf32, #tpu.memory_space<hbm>>
      tpu.enqueue_dma source(%dma_start3A_132 : memref<512x16xf32, #tpu.memory_space<hbm>>) target(%arg12 : memref<512x16xf32, #tpu.memory_space<vmem>>) target_semaphore(%arg17 : memref<!tpu.dma_semaphore, #tpu.memory_space<semaphore_mem>>)
      %dma_wait3A = tpu.memref_slice %arg2[%mul3A_117] : memref<3200000xi32, #tpu.memory_space<hbm>> -> memref<512xi32, #tpu.memory_space<hbm>>
      %dma_wait3A_133 = tpu.memref_slice %arg2[%mul3A_117] : memref<3200000xi32, #tpu.memory_space<hbm>> -> memref<512xi32, #tpu.memory_space<hbm>>
      tpu.wait_dma2 semaphore(%arg16 : memref<!tpu.dma_semaphore, #tpu.memory_space<semaphore_mem>>) src(%dma_wait3A_133 : memref<512xi32, #tpu.memory_space<hbm>>) dst(%arg9 : memref<512xi32, #tpu.memory_space<vmem>>)
      %dma_start3A_134 = arith.constant 0 : i32
      %dma_start3A_135 = tpu.memref_slice %arg15[%dma_start3A_134] : memref<100000xf32, #tpu.memory_space<vmem_shared>> -> memref<100000xf32, #tpu.memory_space<vmem_shared>>
      tpu.enqueue_indirect_dma source(%arg13 : memref<512xf32, #tpu.memory_space<vmem>>) target(%dma_start3A_135 : memref<100000xf32, #tpu.memory_space<vmem_shared>>) offsets(%arg9 : memref<512xi32, #tpu.memory_space<vmem>>) semaphore(%arg18 : memref<!tpu.dma_semaphore, #tpu.memory_space<semaphore_mem>>) {add = true}
      %dma_wait3A_136 = arith.constant 0 : i32
      %dma_wait3A_137 = tpu.memref_slice %arg3[%mul3A_117, %dma_wait3A_136] : memref<3200000x16xf32, #tpu.memory_space<hbm>> -> memref<512x16xf32, #tpu.memory_space<hbm>>
      %dma_wait3A_138 = arith.constant 0 : i32
      %dma_wait3A_139 = tpu.memref_slice %arg3[%mul3A_117, %dma_wait3A_138] : memref<3200000x16xf32, #tpu.memory_space<hbm>> -> memref<512x16xf32, #tpu.memory_space<hbm>>
      tpu.wait_dma2 semaphore(%arg16 : memref<!tpu.dma_semaphore, #tpu.memory_space<semaphore_mem>>) src(%dma_wait3A_139 : memref<512x16xf32, #tpu.memory_space<hbm>>) dst(%arg11 : memref<512x16xf32, #tpu.memory_space<vmem>>)
      %dma_start3A_140 = arith.constant 0 : i32
      %dma_start3A_141 = arith.constant 0 : i32
      %dma_start3A_142 = tpu.memref_slice %arg14[%dma_start3A_140, %dma_start3A_141] : memref<100000x16xf32, #tpu.memory_space<vmem_shared>> -> memref<100000x16xf32, #tpu.memory_space<vmem_shared>>
      tpu.enqueue_indirect_dma source(%arg11 : memref<512x16xf32, #tpu.memory_space<vmem>>) target(%dma_start3A_142 : memref<100000x16xf32, #tpu.memory_space<vmem_shared>>) offsets(%arg9 : memref<512xi32, #tpu.memory_space<vmem>>) semaphore(%arg18 : memref<!tpu.dma_semaphore, #tpu.memory_space<semaphore_mem>>) {add = true}
      %dma_wait3A_143 = tpu.memref_slice %arg2[%mul3A_126] : memref<3200000xi32, #tpu.memory_space<hbm>> -> memref<512xi32, #tpu.memory_space<hbm>>
      %dma_wait3A_144 = tpu.memref_slice %arg2[%mul3A_126] : memref<3200000xi32, #tpu.memory_space<hbm>> -> memref<512xi32, #tpu.memory_space<hbm>>
      tpu.wait_dma2 semaphore(%arg17 : memref<!tpu.dma_semaphore, #tpu.memory_space<semaphore_mem>>) src(%dma_wait3A_144 : memref<512xi32, #tpu.memory_space<hbm>>) dst(%arg10 : memref<512xi32, #tpu.memory_space<vmem>>)
      %dma_start3A_145 = arith.constant 0 : i32
      %dma_start3A_146 = tpu.memref_slice %arg15[%dma_start3A_145] : memref<100000xf32, #tpu.memory_space<vmem_shared>> -> memref<100000xf32, #tpu.memory_space<vmem_shared>>
      tpu.enqueue_indirect_dma source(%arg13 : memref<512xf32, #tpu.memory_space<vmem>>) target(%dma_start3A_146 : memref<100000xf32, #tpu.memory_space<vmem_shared>>) offsets(%arg10 : memref<512xi32, #tpu.memory_space<vmem>>) semaphore(%arg19 : memref<!tpu.dma_semaphore, #tpu.memory_space<semaphore_mem>>) {add = true}
      %dma_wait3A_147 = arith.constant 0 : i32
      %dma_wait3A_148 = tpu.memref_slice %arg3[%mul3A_126, %dma_wait3A_147] : memref<3200000x16xf32, #tpu.memory_space<hbm>> -> memref<512x16xf32, #tpu.memory_space<hbm>>
      %dma_wait3A_149 = arith.constant 0 : i32
      %dma_wait3A_150 = tpu.memref_slice %arg3[%mul3A_126, %dma_wait3A_149] : memref<3200000x16xf32, #tpu.memory_space<hbm>> -> memref<512x16xf32, #tpu.memory_space<hbm>>
      tpu.wait_dma2 semaphore(%arg17 : memref<!tpu.dma_semaphore, #tpu.memory_space<semaphore_mem>>) src(%dma_wait3A_150 : memref<512x16xf32, #tpu.memory_space<hbm>>) dst(%arg12 : memref<512x16xf32, #tpu.memory_space<vmem>>)
      %dma_start3A_151 = arith.constant 0 : i32
      %dma_start3A_152 = arith.constant 0 : i32
      %dma_start3A_153 = tpu.memref_slice %arg14[%dma_start3A_151, %dma_start3A_152] : memref<100000x16xf32, #tpu.memory_space<vmem_shared>> -> memref<100000x16xf32, #tpu.memory_space<vmem_shared>>
      tpu.enqueue_indirect_dma source(%arg12 : memref<512x16xf32, #tpu.memory_space<vmem>>) target(%dma_start3A_153 : memref<100000x16xf32, #tpu.memory_space<vmem_shared>>) offsets(%arg10 : memref<512xi32, #tpu.memory_space<vmem>>) semaphore(%arg19 : memref<!tpu.dma_semaphore, #tpu.memory_space<semaphore_mem>>) {add = true}
      %dma_wait3A_154 = arith.constant 0 : i32
      %dma_wait3A_155 = arith.constant 0 : i32
      %dma_wait3A_156 = tpu.memref_slice %arg14[%dma_wait3A_154, %dma_wait3A_155] : memref<100000x16xf32, #tpu.memory_space<vmem_shared>> -> memref<100000x16xf32, #tpu.memory_space<vmem_shared>>
      tpu.wait_indirect_dma semaphore(%arg18 : memref<!tpu.dma_semaphore, #tpu.memory_space<semaphore_mem>>) src(%arg11 : memref<512x16xf32, #tpu.memory_space<vmem>>) dst(%dma_wait3A_156 : memref<100000x16xf32, #tpu.memory_space<vmem_shared>>)
      %dma_wait3A_157 = arith.constant 0 : i32
      %dma_wait3A_158 = tpu.memref_slice %arg15[%dma_wait3A_157] : memref<100000xf32, #tpu.memory_space<vmem_shared>> -> memref<100000xf32, #tpu.memory_space<vmem_shared>>
      tpu.wait_indirect_dma semaphore(%arg18 : memref<!tpu.dma_semaphore, #tpu.memory_space<semaphore_mem>>) src(%arg13 : memref<512xf32, #tpu.memory_space<vmem>>) dst(%dma_wait3A_158 : memref<100000xf32, #tpu.memory_space<vmem_shared>>)
      %dma_wait3A_159 = arith.constant 0 : i32
      %dma_wait3A_160 = arith.constant 0 : i32
      %dma_wait3A_161 = tpu.memref_slice %arg14[%dma_wait3A_159, %dma_wait3A_160] : memref<100000x16xf32, #tpu.memory_space<vmem_shared>> -> memref<100000x16xf32, #tpu.memory_space<vmem_shared>>
      tpu.wait_indirect_dma semaphore(%arg19 : memref<!tpu.dma_semaphore, #tpu.memory_space<semaphore_mem>>) src(%arg12 : memref<512x16xf32, #tpu.memory_space<vmem>>) dst(%dma_wait3A_161 : memref<100000x16xf32, #tpu.memory_space<vmem_shared>>)
      %dma_wait3A_162 = arith.constant 0 : i32
      %dma_wait3A_163 = tpu.memref_slice %arg15[%dma_wait3A_162] : memref<100000xf32, #tpu.memory_space<vmem_shared>> -> memref<100000xf32, #tpu.memory_space<vmem_shared>>
      tpu.wait_indirect_dma semaphore(%arg19 : memref<!tpu.dma_semaphore, #tpu.memory_space<semaphore_mem>>) src(%arg13 : memref<512xf32, #tpu.memory_space<vmem>>) dst(%dma_wait3A_163 : memref<100000xf32, #tpu.memory_space<vmem_shared>>)
    }
    %while3A_93 = arith.constant 1 : i32
    scf.for %while3A_112 = %while3A_91 to %while3A_87 step %while3A_93  : i32 {
      %mul3A_113 = arith.constant 2 : i32
      %mul3A_114 = arith.muli %mul3A_113, %while3A_112 : i32
      %add3A_115 = arith.addi %select_n3A, %mul3A_114 : i32
      %mul3A_116 = arith.constant 512 : i32
      %mul3A_117 = arith.muli %add3A_115, %mul3A_116 : i32
      %dma_start3A = tpu.memref_slice %arg2[%mul3A_117] : memref<3200000xi32, #tpu.memory_space<hbm>> -> memref<512xi32, #tpu.memory_space<hbm>>
      %dma_start3A_118 = tpu.memref_slice %arg2[%mul3A_117] : memref<3200000xi32, #tpu.memory_space<hbm>> -> memref<512xi32, #tpu.memory_space<hbm>>
      tpu.enqueue_dma source(%dma_start3A_118 : memref<512xi32, #tpu.memory_space<hbm>>) target(%arg9 : memref<512xi32, #tpu.memory_space<vmem>>) target_semaphore(%arg16 : memref<!tpu.dma_semaphore, #tpu.memory_space<semaphore_mem>>)
      %dma_start3A_119 = arith.constant 0 : i32
      %dma_start3A_120 = tpu.memref_slice %arg3[%mul3A_117, %dma_start3A_119] : memref<3200000x16xf32, #tpu.memory_space<hbm>> -> memref<512x16xf32, #tpu.memory_space<hbm>>
      %dma_start3A_121 = arith.constant 0 : i32
      %dma_start3A_122 = tpu.memref_slice %arg3[%mul3A_117, %dma_start3A_121] : memref<3200000x16xf32, #tpu.memory_space<hbm>> -> memref<512x16xf32, #tpu.memory_space<hbm>>
      tpu.enqueue_dma source(%dma_start3A_122 : memref<512x16xf32, #tpu.memory_space<hbm>>) target(%arg11 : memref<512x16xf32, #tpu.memory_space<vmem>>) target_semaphore(%arg16 : memref<!tpu.dma_semaphore, #tpu.memory_space<semaphore_mem>>)
      %add3A_123 = arith.constant 1 : i32
      %add3A_124 = arith.addi %add3A_115, %add3A_123 : i32
      %mul3A_125 = arith.constant 512 : i32
      %mul3A_126 = arith.muli %add3A_124, %mul3A_125 : i32
      %dma_start3A_127 = tpu.memref_slice %arg2[%mul3A_126] : memref<3200000xi32, #tpu.memory_space<hbm>> -> memref<512xi32, #tpu.memory_space<hbm>>
      %dma_start3A_128 = tpu.memref_slice %arg2[%mul3A_126] : memref<3200000xi32, #tpu.memory_space<hbm>> -> memref<512xi32, #tpu.memory_space<hbm>>
      tpu.enqueue_dma source(%dma_start3A_128 : memref<512xi32, #tpu.memory_space<hbm>>) target(%arg10 : memref<512xi32, #tpu.memory_space<vmem>>) target_semaphore(%arg17 : memref<!tpu.dma_semaphore, #tpu.memory_space<semaphore_mem>>)
      %dma_start3A_129 = arith.constant 0 : i32
      %dma_start3A_130 = tpu.memref_slice %arg3[%mul3A_126, %dma_start3A_129] : memref<3200000x16xf32, #tpu.memory_space<hbm>> -> memref<512x16xf32, #tpu.memory_space<hbm>>
      %dma_start3A_131 = arith.constant 0 : i32
      %dma_start3A_132 = tpu.memref_slice %arg3[%mul3A_126, %dma_start3A_131] : memref<3200000x16xf32, #tpu.memory_space<hbm>> -> memref<512x16xf32, #tpu.memory_space<hbm>>
      tpu.enqueue_dma source(%dma_start3A_132 : memref<512x16xf32, #tpu.memory_space<hbm>>) target(%arg12 : memref<512x16xf32, #tpu.memory_space<vmem>>) target_semaphore(%arg17 : memref<!tpu.dma_semaphore, #tpu.memory_space<semaphore_mem>>)
      %dma_wait3A = tpu.memref_slice %arg2[%mul3A_117] : memref<3200000xi32, #tpu.memory_space<hbm>> -> memref<512xi32, #tpu.memory_space<hbm>>
      %dma_wait3A_133 = tpu.memref_slice %arg2[%mul3A_117] : memref<3200000xi32, #tpu.memory_space<hbm>> -> memref<512xi32, #tpu.memory_space<hbm>>
      tpu.wait_dma2 semaphore(%arg16 : memref<!tpu.dma_semaphore, #tpu.memory_space<semaphore_mem>>) src(%dma_wait3A_133 : memref<512xi32, #tpu.memory_space<hbm>>) dst(%arg9 : memref<512xi32, #tpu.memory_space<vmem>>)
      %dma_start3A_134 = arith.constant 0 : i32
      %dma_start3A_135 = tpu.memref_slice %arg15[%dma_start3A_134] : memref<100000xf32, #tpu.memory_space<vmem_shared>> -> memref<100000xf32, #tpu.memory_space<vmem_shared>>
      tpu.enqueue_indirect_dma source(%arg13 : memref<512xf32, #tpu.memory_space<vmem>>) target(%dma_start3A_135 : memref<100000xf32, #tpu.memory_space<vmem_shared>>) offsets(%arg9 : memref<512xi32, #tpu.memory_space<vmem>>) semaphore(%arg18 : memref<!tpu.dma_semaphore, #tpu.memory_space<semaphore_mem>>) {add = true}
      %dma_wait3A_136 = arith.constant 0 : i32
      %dma_wait3A_137 = tpu.memref_slice %arg3[%mul3A_117, %dma_wait3A_136] : memref<3200000x16xf32, #tpu.memory_space<hbm>> -> memref<512x16xf32, #tpu.memory_space<hbm>>
      %dma_wait3A_138 = arith.constant 0 : i32
      %dma_wait3A_139 = tpu.memref_slice %arg3[%mul3A_117, %dma_wait3A_138] : memref<3200000x16xf32, #tpu.memory_space<hbm>> -> memref<512x16xf32, #tpu.memory_space<hbm>>
      tpu.wait_dma2 semaphore(%arg16 : memref<!tpu.dma_semaphore, #tpu.memory_space<semaphore_mem>>) src(%dma_wait3A_139 : memref<512x16xf32, #tpu.memory_space<hbm>>) dst(%arg11 : memref<512x16xf32, #tpu.memory_space<vmem>>)
      %dma_start3A_140 = arith.constant 0 : i32
      %dma_start3A_141 = arith.constant 0 : i32
      %dma_start3A_142 = tpu.memref_slice %arg14[%dma_start3A_140, %dma_start3A_141] : memref<100000x16xf32, #tpu.memory_space<vmem_shared>> -> memref<100000x16xf32, #tpu.memory_space<vmem_shared>>
      tpu.enqueue_indirect_dma source(%arg11 : memref<512x16xf32, #tpu.memory_space<vmem>>) target(%dma_start3A_142 : memref<100000x16xf32, #tpu.memory_space<vmem_shared>>) offsets(%arg9 : memref<512xi32, #tpu.memory_space<vmem>>) semaphore(%arg18 : memref<!tpu.dma_semaphore, #tpu.memory_space<semaphore_mem>>) {add = true}
      %dma_wait3A_143 = tpu.memref_slice %arg2[%mul3A_126] : memref<3200000xi32, #tpu.memory_space<hbm>> -> memref<512xi32, #tpu.memory_space<hbm>>
      %dma_wait3A_144 = tpu.memref_slice %arg2[%mul3A_126] : memref<3200000xi32, #tpu.memory_space<hbm>> -> memref<512xi32, #tpu.memory_space<hbm>>
      tpu.wait_dma2 semaphore(%arg17 : memref<!tpu.dma_semaphore, #tpu.memory_space<semaphore_mem>>) src(%dma_wait3A_144 : memref<512xi32, #tpu.memory_space<hbm>>) dst(%arg10 : memref<512xi32, #tpu.memory_space<vmem>>)
      %dma_start3A_145 = arith.constant 0 : i32
      %dma_start3A_146 = tpu.memref_slice %arg15[%dma_start3A_145] : memref<100000xf32, #tpu.memory_space<vmem_shared>> -> memref<100000xf32, #tpu.memory_space<vmem_shared>>
      tpu.enqueue_indirect_dma source(%arg13 : memref<512xf32, #tpu.memory_space<vmem>>) target(%dma_start3A_146 : memref<100000xf32, #tpu.memory_space<vmem_shared>>) offsets(%arg10 : memref<512xi32, #tpu.memory_space<vmem>>) semaphore(%arg19 : memref<!tpu.dma_semaphore, #tpu.memory_space<semaphore_mem>>) {add = true}
      %dma_wait3A_147 = arith.constant 0 : i32
      %dma_wait3A_148 = tpu.memref_slice %arg3[%mul3A_126, %dma_wait3A_147] : memref<3200000x16xf32, #tpu.memory_space<hbm>> -> memref<512x16xf32, #tpu.memory_space<hbm>>
      %dma_wait3A_149 = arith.constant 0 : i32
      %dma_wait3A_150 = tpu.memref_slice %arg3[%mul3A_126, %dma_wait3A_149] : memref<3200000x16xf32, #tpu.memory_space<hbm>> -> memref<512x16xf32, #tpu.memory_space<hbm>>
      tpu.wait_dma2 semaphore(%arg17 : memref<!tpu.dma_semaphore, #tpu.memory_space<semaphore_mem>>) src(%dma_wait3A_150 : memref<512x16xf32, #tpu.memory_space<hbm>>) dst(%arg12 : memref<512x16xf32, #tpu.memory_space<vmem>>)
      %dma_start3A_151 = arith.constant 0 : i32
      %dma_start3A_152 = arith.constant 0 : i32
      %dma_start3A_153 = tpu.memref_slice %arg14[%dma_start3A_151, %dma_start3A_152] : memref<100000x16xf32, #tpu.memory_space<vmem_shared>> -> memref<100000x16xf32, #tpu.memory_space<vmem_shared>>
      tpu.enqueue_indirect_dma source(%arg12 : memref<512x16xf32, #tpu.memory_space<vmem>>) target(%dma_start3A_153 : memref<100000x16xf32, #tpu.memory_space<vmem_shared>>) offsets(%arg10 : memref<512xi32, #tpu.memory_space<vmem>>) semaphore(%arg19 : memref<!tpu.dma_semaphore, #tpu.memory_space<semaphore_mem>>) {add = true}
      %dma_wait3A_154 = arith.constant 0 : i32
      %dma_wait3A_155 = arith.constant 0 : i32
      %dma_wait3A_156 = tpu.memref_slice %arg14[%dma_wait3A_154, %dma_wait3A_155] : memref<100000x16xf32, #tpu.memory_space<vmem_shared>> -> memref<100000x16xf32, #tpu.memory_space<vmem_shared>>
      tpu.wait_indirect_dma semaphore(%arg18 : memref<!tpu.dma_semaphore, #tpu.memory_space<semaphore_mem>>) src(%arg11 : memref<512x16xf32, #tpu.memory_space<vmem>>) dst(%dma_wait3A_156 : memref<100000x16xf32, #tpu.memory_space<vmem_shared>>)
      %dma_wait3A_157 = arith.constant 0 : i32
      %dma_wait3A_158 = tpu.memref_slice %arg15[%dma_wait3A_157] : memref<100000xf32, #tpu.memory_space<vmem_shared>> -> memref<100000xf32, #tpu.memory_space<vmem_shared>>
      tpu.wait_indirect_dma semaphore(%arg18 : memref<!tpu.dma_semaphore, #tpu.memory_space<semaphore_mem>>) src(%arg13 : memref<512xf32, #tpu.memory_space<vmem>>) dst(%dma_wait3A_158 : memref<100000xf32, #tpu.memory_space<vmem_shared>>)
      %dma_wait3A_159 = arith.constant 0 : i32
      %dma_wait3A_160 = arith.constant 0 : i32
      %dma_wait3A_161 = tpu.memref_slice %arg14[%dma_wait3A_159, %dma_wait3A_160] : memref<100000x16xf32, #tpu.memory_space<vmem_shared>> -> memref<100000x16xf32, #tpu.memory_space<vmem_shared>>
      tpu.wait_indirect_dma semaphore(%arg19 : memref<!tpu.dma_semaphore, #tpu.memory_space<semaphore_mem>>) src(%arg12 : memref<512x16xf32, #tpu.memory_space<vmem>>) dst(%dma_wait3A_161 : memref<100000x16xf32, #tpu.memory_space<vmem_shared>>)
      %dma_wait3A_162 = arith.constant 0 : i32
      %dma_wait3A_163 = tpu.memref_slice %arg15[%dma_wait3A_162] : memref<100000xf32, #tpu.memory_space<vmem_shared>> -> memref<100000xf32, #tpu.memory_space<vmem_shared>>
      tpu.wait_indirect_dma semaphore(%arg19 : memref<!tpu.dma_semaphore, #tpu.memory_space<semaphore_mem>>) src(%arg13 : memref<512xf32, #tpu.memory_space<vmem>>) dst(%dma_wait3A_163 : memref<100000xf32, #tpu.memory_space<vmem_shared>>)
    }
    %mul3A_94 = arith.constant 2 : i32
    %mul3A_95 = arith.muli %mul3A_94, %select_n3A_84 : i32
    %add3A_96 = arith.addi %select_n3A, %mul3A_95 : i32
    %lt3A_97 = arith.cmpi slt, %add3A_96, %select_n3A_59 : i32
    %convert_element_type3A_98 = arith.extui %lt3A_97 : i1 to i32
    %cond3A_99 = arith.constant 0 : i32
    %cond3A_100 = arith.cmpi ne, %convert_element_type3A_98, %cond3A_99 : i32
    scf.if %cond3A_100 {
      %mul3A_112 = arith.constant 2 : i32
      %mul3A_113 = arith.muli %mul3A_112, %select_n3A_84 : i32
      %add3A_114 = arith.addi %select_n3A, %mul3A_113 : i32
      %mul3A_115 = arith.constant 512 : i32
      %mul3A_116 = arith.muli %add3A_114, %mul3A_115 : i32
      %dma_start3A = tpu.memref_slice %arg2[%mul3A_116] : memref<3200000xi32, #tpu.memory_space<hbm>> -> memref<512xi32, #tpu.memory_space<hbm>>
      %dma_start3A_117 = tpu.memref_slice %arg2[%mul3A_116] : memref<3200000xi32, #tpu.memory_space<hbm>> -> memref<512xi32, #tpu.memory_space<hbm>>
      tpu.enqueue_dma source(%dma_start3A_117 : memref<512xi32, #tpu.memory_space<hbm>>) target(%arg9 : memref<512xi32, #tpu.memory_space<vmem>>) target_semaphore(%arg16 : memref<!tpu.dma_semaphore, #tpu.memory_space<semaphore_mem>>)
      %dma_start3A_118 = arith.constant 0 : i32
      %dma_start3A_119 = tpu.memref_slice %arg3[%mul3A_116, %dma_start3A_118] : memref<3200000x16xf32, #tpu.memory_space<hbm>> -> memref<512x16xf32, #tpu.memory_space<hbm>>
      %dma_start3A_120 = arith.constant 0 : i32
      %dma_start3A_121 = tpu.memref_slice %arg3[%mul3A_116, %dma_start3A_120] : memref<3200000x16xf32, #tpu.memory_space<hbm>> -> memref<512x16xf32, #tpu.memory_space<hbm>>
      tpu.enqueue_dma source(%dma_start3A_121 : memref<512x16xf32, #tpu.memory_space<hbm>>) target(%arg11 : memref<512x16xf32, #tpu.memory_space<vmem>>) target_semaphore(%arg16 : memref<!tpu.dma_semaphore, #tpu.memory_space<semaphore_mem>>)
      %dma_wait3A = tpu.memref_slice %arg2[%mul3A_116] : memref<3200000xi32, #tpu.memory_space<hbm>> -> memref<512xi32, #tpu.memory_space<hbm>>
      %dma_wait3A_122 = tpu.memref_slice %arg2[%mul3A_116] : memref<3200000xi32, #tpu.memory_space<hbm>> -> memref<512xi32, #tpu.memory_space<hbm>>
      tpu.wait_dma2 semaphore(%arg16 : memref<!tpu.dma_semaphore, #tpu.memory_space<semaphore_mem>>) src(%dma_wait3A_122 : memref<512xi32, #tpu.memory_space<hbm>>) dst(%arg9 : memref<512xi32, #tpu.memory_space<vmem>>)
      %dma_start3A_123 = arith.constant 0 : i32
      %dma_start3A_124 = tpu.memref_slice %arg15[%dma_start3A_123] : memref<100000xf32, #tpu.memory_space<vmem_shared>> -> memref<100000xf32, #tpu.memory_space<vmem_shared>>
      tpu.enqueue_indirect_dma source(%arg13 : memref<512xf32, #tpu.memory_space<vmem>>) target(%dma_start3A_124 : memref<100000xf32, #tpu.memory_space<vmem_shared>>) offsets(%arg9 : memref<512xi32, #tpu.memory_space<vmem>>) semaphore(%arg18 : memref<!tpu.dma_semaphore, #tpu.memory_space<semaphore_mem>>) {add = true}
      %dma_wait3A_125 = arith.constant 0 : i32
      %dma_wait3A_126 = tpu.memref_slice %arg3[%mul3A_116, %dma_wait3A_125] : memref<3200000x16xf32, #tpu.memory_space<hbm>> -> memref<512x16xf32, #tpu.memory_space<hbm>>
      %dma_wait3A_127 = arith.constant 0 : i32
      %dma_wait3A_128 = tpu.memref_slice %arg3[%mul3A_116, %dma_wait3A_127] : memref<3200000x16xf32, #tpu.memory_space<hbm>> -> memref<512x16xf32, #tpu.memory_space<hbm>>
      tpu.wait_dma2 semaphore(%arg16 : memref<!tpu.dma_semaphore, #tpu.memory_space<semaphore_mem>>) src(%dma_wait3A_128 : memref<512x16xf32, #tpu.memory_space<hbm>>) dst(%arg11 : memref<512x16xf32, #tpu.memory_space<vmem>>)
      %dma_start3A_129 = arith.constant 0 : i32
      %dma_start3A_130 = arith.constant 0 : i32
      %dma_start3A_131 = tpu.memref_slice %arg14[%dma_start3A_129, %dma_start3A_130] : memref<100000x16xf32, #tpu.memory_space<vmem_shared>> -> memref<100000x16xf32, #tpu.memory_space<vmem_shared>>
      tpu.enqueue_indirect_dma source(%arg11 : memref<512x16xf32, #tpu.memory_space<vmem>>) target(%dma_start3A_131 : memref<100000x16xf32, #tpu.memory_space<vmem_shared>>) offsets(%arg9 : memref<512xi32, #tpu.memory_space<vmem>>) semaphore(%arg18 : memref<!tpu.dma_semaphore, #tpu.memory_space<semaphore_mem>>) {add = true}
      %dma_wait3A_132 = arith.constant 0 : i32
      %dma_wait3A_133 = arith.constant 0 : i32
      %dma_wait3A_134 = tpu.memref_slice %arg14[%dma_wait3A_132, %dma_wait3A_133] : memref<100000x16xf32, #tpu.memory_space<vmem_shared>> -> memref<100000x16xf32, #tpu.memory_space<vmem_shared>>
      tpu.wait_indirect_dma semaphore(%arg18 : memref<!tpu.dma_semaphore, #tpu.memory_space<semaphore_mem>>) src(%arg11 : memref<512x16xf32, #tpu.memory_space<vmem>>) dst(%dma_wait3A_134 : memref<100000x16xf32, #tpu.memory_space<vmem_shared>>)
      %dma_wait3A_135 = arith.constant 0 : i32
      %dma_wait3A_136 = tpu.memref_slice %arg15[%dma_wait3A_135] : memref<100000xf32, #tpu.memory_space<vmem_shared>> -> memref<100000xf32, #tpu.memory_space<vmem_shared>>
      tpu.wait_indirect_dma semaphore(%arg18 : memref<!tpu.dma_semaphore, #tpu.memory_space<semaphore_mem>>) src(%arg13 : memref<512xf32, #tpu.memory_space<vmem>>) dst(%dma_wait3A_136 : memref<100000xf32, #tpu.memory_space<vmem_shared>>)
    } else {
    }
    %barrier3A_101 = arith.constant 0 : index
    tpu.barrier barrier_id(%barrier3A_101)
    %lt3A_102 = arith.constant 15 : i32
    %lt3A_103 = arith.cmpi slt, %arg1, %lt3A_102 : i32
    %convert_element_type3A_104 = arith.extui %lt3A_103 : i1 to i32
    %cond3A_105 = arith.constant 0 : i32
    %cond3A_106 = arith.cmpi ne, %convert_element_type3A_104, %cond3A_105 : i32
    scf.if %cond3A_106 {
      "tpu.region"() ({
        %run_scoped3A = tpu.sem_alloc : memref<!tpu.dma_semaphore, #tpu.memory_space<semaphore_mem>>
        %dma_start3A = arith.constant 0 : i32
        %dma_start3A_122 = tpu.memref_slice %arg6[%arg0, %mul3A_5, %dma_start3A] : memref<2x100032x16xf32, #tpu.memory_space<hbm>> -> memref<1x6256x16xf32, #tpu.memory_space<hbm>>
        %dma_start3A_123 = tpu.memref_squeeze %dma_start3A_122 : memref<1x6256x16xf32, #tpu.memory_space<hbm>> -> memref<6256x16xf32, #tpu.memory_space<hbm>>
        %dma_start3A_124 = arith.constant 0 : i32
        %dma_start3A_125 = tpu.memref_slice %arg14[%mul3A_5, %dma_start3A_124] : memref<100000x16xf32, #tpu.memory_space<vmem_shared>> -> memref<6256x16xf32, #tpu.memory_space<vmem_shared>>
        tpu.enqueue_dma source(%dma_start3A_125 : memref<6256x16xf32, #tpu.memory_space<vmem_shared>>) target(%dma_start3A_123 : memref<6256x16xf32, #tpu.memory_space<hbm>>) target_semaphore(%run_scoped3A : memref<!tpu.dma_semaphore, #tpu.memory_space<semaphore_mem>>)
        %dma_wait3A = arith.constant 0 : i32
        %dma_wait3A_126 = tpu.memref_slice %arg6[%arg0, %mul3A_5, %dma_wait3A] : memref<2x100032x16xf32, #tpu.memory_space<hbm>> -> memref<1x6256x16xf32, #tpu.memory_space<hbm>>
        %dma_wait3A_127 = tpu.memref_squeeze %dma_wait3A_126 : memref<1x6256x16xf32, #tpu.memory_space<hbm>> -> memref<6256x16xf32, #tpu.memory_space<hbm>>
        %dma_wait3A_128 = arith.constant 0 : i32
        %dma_wait3A_129 = tpu.memref_slice %arg14[%mul3A_5, %dma_wait3A_128] : memref<100000x16xf32, #tpu.memory_space<vmem_shared>> -> memref<6256x16xf32, #tpu.memory_space<vmem_shared>>
        tpu.wait_dma2 semaphore(%run_scoped3A : memref<!tpu.dma_semaphore, #tpu.memory_space<semaphore_mem>>) src(%dma_wait3A_129 : memref<6256x16xf32, #tpu.memory_space<vmem_shared>>) dst(%dma_wait3A_127 : memref<6256x16xf32, #tpu.memory_space<hbm>>)
        tpu.yield
      }) : () -> ()
      %eq3A_112 = arith.constant 0 : i32
      %eq3A_113 = arith.cmpi eq, %arg0, %eq3A_112 : i32
      %convert_element_type3A_114 = arith.extui %eq3A_113 : i1 to i32
      %cond3A_115 = arith.constant 0 : i32
      %cond3A_116 = arith.cmpi ne, %convert_element_type3A_114, %cond3A_115 : i32
      scf.if %cond3A_116 {
        "tpu.region"() ({
          %run_scoped3A = tpu.sem_alloc : memref<!tpu.dma_semaphore, #tpu.memory_space<semaphore_mem>>
          %dma_start3A = tpu.memref_slice %arg7[%mul3A_5] : memref<100000xf32, #tpu.memory_space<hbm>> -> memref<6256xf32, #tpu.memory_space<hbm>>
          %dma_start3A_122 = tpu.memref_slice %arg15[%mul3A_5] : memref<100000xf32, #tpu.memory_space<vmem_shared>> -> memref<6256xf32, #tpu.memory_space<vmem_shared>>
          tpu.enqueue_dma source(%dma_start3A_122 : memref<6256xf32, #tpu.memory_space<vmem_shared>>) target(%dma_start3A : memref<6256xf32, #tpu.memory_space<hbm>>) target_semaphore(%run_scoped3A : memref<!tpu.dma_semaphore, #tpu.memory_space<semaphore_mem>>)
          %dma_wait3A = tpu.memref_slice %arg7[%mul3A_5] : memref<100000xf32, #tpu.memory_space<hbm>> -> memref<6256xf32, #tpu.memory_space<hbm>>
          %dma_wait3A_123 = tpu.memref_slice %arg15[%mul3A_5] : memref<100000xf32, #tpu.memory_space<vmem_shared>> -> memref<6256xf32, #tpu.memory_space<vmem_shared>>
          tpu.wait_dma2 semaphore(%run_scoped3A : memref<!tpu.dma_semaphore, #tpu.memory_space<semaphore_mem>>) src(%dma_wait3A_123 : memref<6256xf32, #tpu.memory_space<vmem_shared>>) dst(%dma_wait3A : memref<6256xf32, #tpu.memory_space<hbm>>)
          tpu.yield
        }) : () -> ()
      } else {
      }
      %eq3A_117 = arith.constant 1 : i32
      %eq3A_118 = arith.cmpi eq, %arg0, %eq3A_117 : i32
      %convert_element_type3A_119 = arith.extui %eq3A_118 : i1 to i32
      %cond3A_120 = arith.constant 0 : i32
      %cond3A_121 = arith.cmpi ne, %convert_element_type3A_119, %cond3A_120 : i32
      scf.if %cond3A_121 {
        "tpu.region"() ({
          %run_scoped3A = tpu.sem_alloc : memref<!tpu.dma_semaphore, #tpu.memory_space<semaphore_mem>>
          %dma_start3A = tpu.memref_slice %arg8[%mul3A_5] : memref<100000xf32, #tpu.memory_space<hbm>> -> memref<6256xf32, #tpu.memory_space<hbm>>
          %dma_start3A_122 = tpu.memref_slice %arg15[%mul3A_5] : memref<100000xf32, #tpu.memory_space<vmem_shared>> -> memref<6256xf32, #tpu.memory_space<vmem_shared>>
          tpu.enqueue_dma source(%dma_start3A_122 : memref<6256xf32, #tpu.memory_space<vmem_shared>>) target(%dma_start3A : memref<6256xf32, #tpu.memory_space<hbm>>) target_semaphore(%run_scoped3A : memref<!tpu.dma_semaphore, #tpu.memory_space<semaphore_mem>>)
          %dma_wait3A = tpu.memref_slice %arg8[%mul3A_5] : memref<100000xf32, #tpu.memory_space<hbm>> -> memref<6256xf32, #tpu.memory_space<hbm>>
          %dma_wait3A_123 = tpu.memref_slice %arg15[%mul3A_5] : memref<100000xf32, #tpu.memory_space<vmem_shared>> -> memref<6256xf32, #tpu.memory_space<vmem_shared>>
          tpu.wait_dma2 semaphore(%run_scoped3A : memref<!tpu.dma_semaphore, #tpu.memory_space<semaphore_mem>>) src(%dma_wait3A_123 : memref<6256xf32, #tpu.memory_space<vmem_shared>>) dst(%dma_wait3A : memref<6256xf32, #tpu.memory_space<hbm>>)
          tpu.yield
        }) : () -> ()
      } else {
      }
    } else {
    }
    %eq3A_107 = arith.constant 15 : i32
    %eq3A_108 = arith.cmpi eq, %arg1, %eq3A_107 : i32
    %convert_element_type3A_109 = arith.extui %eq3A_108 : i1 to i32
    %cond3A_110 = arith.constant 0 : i32
    %cond3A_111 = arith.cmpi ne, %convert_element_type3A_109, %cond3A_110 : i32
    scf.if %cond3A_111 {
      "tpu.region"() ({
        %run_scoped3A = tpu.sem_alloc : memref<!tpu.dma_semaphore, #tpu.memory_space<semaphore_mem>>
        %dma_start3A = arith.constant 0 : i32
        %dma_start3A_122 = tpu.memref_slice %arg6[%arg0, %mul3A_5, %dma_start3A] : memref<2x100032x16xf32, #tpu.memory_space<hbm>> -> memref<1x6160x16xf32, #tpu.memory_space<hbm>>
        %dma_start3A_123 = tpu.memref_squeeze %dma_start3A_122 : memref<1x6160x16xf32, #tpu.memory_space<hbm>> -> memref<6160x16xf32, #tpu.memory_space<hbm>>
        %dma_start3A_124 = arith.constant 0 : i32
        %dma_start3A_125 = tpu.memref_slice %arg14[%mul3A_5, %dma_start3A_124] : memref<100000x16xf32, #tpu.memory_space<vmem_shared>> -> memref<6160x16xf32, #tpu.memory_space<vmem_shared>>
        tpu.enqueue_dma source(%dma_start3A_125 : memref<6160x16xf32, #tpu.memory_space<vmem_shared>>) target(%dma_start3A_123 : memref<6160x16xf32, #tpu.memory_space<hbm>>) target_semaphore(%run_scoped3A : memref<!tpu.dma_semaphore, #tpu.memory_space<semaphore_mem>>)
        %dma_wait3A = arith.constant 0 : i32
        %dma_wait3A_126 = tpu.memref_slice %arg6[%arg0, %mul3A_5, %dma_wait3A] : memref<2x100032x16xf32, #tpu.memory_space<hbm>> -> memref<1x6160x16xf32, #tpu.memory_space<hbm>>
        %dma_wait3A_127 = tpu.memref_squeeze %dma_wait3A_126 : memref<1x6160x16xf32, #tpu.memory_space<hbm>> -> memref<6160x16xf32, #tpu.memory_space<hbm>>
        %dma_wait3A_128 = arith.constant 0 : i32
        %dma_wait3A_129 = tpu.memref_slice %arg14[%mul3A_5, %dma_wait3A_128] : memref<100000x16xf32, #tpu.memory_space<vmem_shared>> -> memref<6160x16xf32, #tpu.memory_space<vmem_shared>>
        tpu.wait_dma2 semaphore(%run_scoped3A : memref<!tpu.dma_semaphore, #tpu.memory_space<semaphore_mem>>) src(%dma_wait3A_129 : memref<6160x16xf32, #tpu.memory_space<vmem_shared>>) dst(%dma_wait3A_127 : memref<6160x16xf32, #tpu.memory_space<hbm>>)
        tpu.yield
      }) : () -> ()
      %eq3A_112 = arith.constant 0 : i32
      %eq3A_113 = arith.cmpi eq, %arg0, %eq3A_112 : i32
      %convert_element_type3A_114 = arith.extui %eq3A_113 : i1 to i32
      %cond3A_115 = arith.constant 0 : i32
      %cond3A_116 = arith.cmpi ne, %convert_element_type3A_114, %cond3A_115 : i32
      scf.if %cond3A_116 {
        "tpu.region"() ({
          %run_scoped3A = tpu.sem_alloc : memref<!tpu.dma_semaphore, #tpu.memory_space<semaphore_mem>>
          %dma_start3A = tpu.memref_slice %arg7[%mul3A_5] : memref<100000xf32, #tpu.memory_space<hbm>> -> memref<6160xf32, #tpu.memory_space<hbm>>
          %dma_start3A_122 = tpu.memref_slice %arg15[%mul3A_5] : memref<100000xf32, #tpu.memory_space<vmem_shared>> -> memref<6160xf32, #tpu.memory_space<vmem_shared>>
          tpu.enqueue_dma source(%dma_start3A_122 : memref<6160xf32, #tpu.memory_space<vmem_shared>>) target(%dma_start3A : memref<6160xf32, #tpu.memory_space<hbm>>) target_semaphore(%run_scoped3A : memref<!tpu.dma_semaphore, #tpu.memory_space<semaphore_mem>>)
          %dma_wait3A = tpu.memref_slice %arg7[%mul3A_5] : memref<100000xf32, #tpu.memory_space<hbm>> -> memref<6160xf32, #tpu.memory_space<hbm>>
          %dma_wait3A_123 = tpu.memref_slice %arg15[%mul3A_5] : memref<100000xf32, #tpu.memory_space<vmem_shared>> -> memref<6160xf32, #tpu.memory_space<vmem_shared>>
          tpu.wait_dma2 semaphore(%run_scoped3A : memref<!tpu.dma_semaphore, #tpu.memory_space<semaphore_mem>>) src(%dma_wait3A_123 : memref<6160xf32, #tpu.memory_space<vmem_shared>>) dst(%dma_wait3A : memref<6160xf32, #tpu.memory_space<hbm>>)
          tpu.yield
        }) : () -> ()
      } else {
      }
      %eq3A_117 = arith.constant 1 : i32
      %eq3A_118 = arith.cmpi eq, %arg0, %eq3A_117 : i32
      %convert_element_type3A_119 = arith.extui %eq3A_118 : i1 to i32
      %cond3A_120 = arith.constant 0 : i32
      %cond3A_121 = arith.cmpi ne, %convert_element_type3A_119, %cond3A_120 : i32
      scf.if %cond3A_121 {
        "tpu.region"() ({
          %run_scoped3A = tpu.sem_alloc : memref<!tpu.dma_semaphore, #tpu.memory_space<semaphore_mem>>
          %dma_start3A = tpu.memref_slice %arg8[%mul3A_5] : memref<100000xf32, #tpu.memory_space<hbm>> -> memref<6160xf32, #tpu.memory_space<hbm>>
          %dma_start3A_122 = tpu.memref_slice %arg15[%mul3A_5] : memref<100000xf32, #tpu.memory_space<vmem_shared>> -> memref<6160xf32, #tpu.memory_space<vmem_shared>>
          tpu.enqueue_dma source(%dma_start3A_122 : memref<6160xf32, #tpu.memory_space<vmem_shared>>) target(%dma_start3A : memref<6160xf32, #tpu.memory_space<hbm>>) target_semaphore(%run_scoped3A : memref<!tpu.dma_semaphore, #tpu.memory_space<semaphore_mem>>)
          %dma_wait3A = tpu.memref_slice %arg8[%mul3A_5] : memref<100000xf32, #tpu.memory_space<hbm>> -> memref<6160xf32, #tpu.memory_space<hbm>>
          %dma_wait3A_123 = tpu.memref_slice %arg15[%mul3A_5] : memref<100000xf32, #tpu.memory_space<vmem_shared>> -> memref<6160xf32, #tpu.memory_space<vmem_shared>>
          tpu.wait_dma2 semaphore(%run_scoped3A : memref<!tpu.dma_semaphore, #tpu.memory_space<semaphore_mem>>) src(%dma_wait3A_123 : memref<6160xf32, #tpu.memory_space<vmem_shared>>) dst(%dma_wait3A : memref<6160xf32, #tpu.memory_space<hbm>>)
          tpu.yield
        }) : () -> ()
      } else {
      }
    } else {
    }
    return
  }
}

module attributes {stable_mosaic.version = 14 : i64} {
  func.func @_combine_body(%arg0: i32, %arg1: memref<2x4000x16xf32, #tpu.memory_space<vmem>>, %arg2: memref<1x1x4000xf32, #tpu.memory_space<vmem>>, %arg3: memref<1x1x4000xf32, #tpu.memory_space<vmem>>, %arg4: memref<4000x16xf32, #tpu.memory_space<vmem>>, %arg5: memref<4000x16xf32, #tpu.memory_space<vmem>>) attributes {dimension_semantics = [#tpu.dimension_semantics<arbitrary>], iteration_bounds = array<i64: 25>, scalar_prefetch = 0 : i64, scratch_operands = 0 : i64, tpu.core_type = #tpu.core_type<tc>, window_params = [{transform_indices = @transform_0, window_bounds = array<i64: 2, 4000, 16>}, {transform_indices = @transform_1, window_bounds = array<i64: 1, 1, 4000>}, {transform_indices = @transform_2, window_bounds = array<i64: 1, 1, 4000>}, {transform_indices = @transform_3, window_bounds = array<i64: 4000, 16>}, {transform_indices = @transform_4, window_bounds = array<i64: 4000, 16>}]} {
    %get3A = arith.constant 0 : index
    %get3A_0 = arith.constant 0 : index
    %get3A_1 = arith.constant 0 : index
    %get3A_2 = vector.load %arg1[%get3A, %get3A_0, %get3A_1] : memref<2x4000x16xf32, #tpu.memory_space<vmem>>, vector<1x4000x16xf32>
    %get3A_3 = vector.shape_cast %get3A_2 : vector<1x4000x16xf32> to vector<4000x16xf32>
    %get3A_4 = arith.constant 1 : index
    %get3A_5 = arith.constant 0 : index
    %get3A_6 = arith.constant 0 : index
    %get3A_7 = vector.load %arg1[%get3A_4, %get3A_5, %get3A_6] : memref<2x4000x16xf32, #tpu.memory_space<vmem>>, vector<1x4000x16xf32>
    %get3A_8 = vector.shape_cast %get3A_7 : vector<1x4000x16xf32> to vector<4000x16xf32>
    %add3A = arith.addf %get3A_3, %get3A_8 : vector<4000x16xf32>
    %get3A_9 = arith.constant 0 : index
    %get3A_10 = arith.constant 0 : index
    %get3A_11 = arith.constant 0 : index
    %get3A_12 = vector.load %arg2[%get3A_9, %get3A_10, %get3A_11] : memref<1x1x4000xf32, #tpu.memory_space<vmem>>, vector<1x1x4000xf32>
    %get3A_13 = vector.shape_cast %get3A_12 : vector<1x1x4000xf32> to vector<4000xf32>
    %get3A_14 = arith.constant 0 : index
    %get3A_15 = arith.constant 0 : index
    %get3A_16 = arith.constant 0 : index
    %get3A_17 = vector.load %arg3[%get3A_14, %get3A_15, %get3A_16] : memref<1x1x4000xf32, #tpu.memory_space<vmem>>, vector<1x1x4000xf32>
    %get3A_18 = vector.shape_cast %get3A_17 : vector<1x1x4000xf32> to vector<4000xf32>
    %add3A_19 = arith.addf %get3A_13, %get3A_18 : vector<4000xf32>
    %broadcast_in_dim3A = vector.shape_cast %add3A_19 : vector<4000xf32> to vector<4000x1xf32>
    %max3A = arith.constant 1.000000e+00 : f32
    %max3A_20 = vector.broadcast %max3A : f32 to vector<4000x1xf32>
    %max3A_21 = arith.maximumf %broadcast_in_dim3A, %max3A_20 : vector<4000x1xf32>
    %div3A = vector.broadcast %max3A_21 : vector<4000x1xf32> to vector<4000x16xf32>
    %div3A_22 = arith.divf %add3A, %div3A : vector<4000x16xf32>
    %gt3A = arith.constant 0.000000e+00 : f32
    %gt3A_23 = vector.broadcast %gt3A : f32 to vector<4000x1xf32>
    %gt3A_24 = arith.cmpf ogt, %broadcast_in_dim3A, %gt3A_23 : vector<4000x1xf32>
    %get3A_25 = arith.constant 0 : index
    %get3A_26 = arith.constant 0 : index
    %get3A_27 = vector.load %arg4[%get3A_25, %get3A_26] : memref<4000x16xf32, #tpu.memory_space<vmem>>, vector<4000x16xf32>
    %broadcast_in_dim3A_28 = vector.shape_cast %gt3A_24 : vector<4000x1xi1> to vector<4000x1xi1>
    %broadcast_in_dim3A_29 = vector.broadcast %broadcast_in_dim3A_28 : vector<4000x1xi1> to vector<4000x16xi1>
    %select_n3A = arith.select %broadcast_in_dim3A_29, %div3A_22, %get3A_27 : vector<4000x16xi1>, vector<4000x16xf32>
    %swap3A = arith.constant 0 : index
    %swap3A_30 = arith.constant 0 : index
    %swap3A_31 = vector.load %arg5[%swap3A, %swap3A_30] : memref<4000x16xf32, #tpu.memory_space<vmem>>, vector<4000x16xf32>
    tpu.vector_store %arg5[%swap3A, %swap3A_30], %select_n3A {strides = array<i32>} : memref<4000x16xf32, #tpu.memory_space<vmem>>, vector<4000x16xf32>,
    return
  }
  func.func @transform_0(%arg0: i32) -> (i32, i32, i32) {
    %c0_i32 = arith.constant 0 : i32
    %c0_i32_0 = arith.constant 0 : i32
    %c0_i32_1 = arith.constant 0 : i32
    return %c0_i32, %arg0, %c0_i32_0 : i32, i32, i32
  }
  func.func @transform_1(%arg0: i32) -> (i32, i32, i32) {
    %c0_i32 = arith.constant 0 : i32
    %c0_i32_0 = arith.constant 0 : i32
    %c0_i32_1 = arith.constant 0 : i32
    return %arg0, %c0_i32, %c0_i32_0 : i32, i32, i32
  }
  func.func @transform_2(%arg0: i32) -> (i32, i32, i32) {
    %c0_i32 = arith.constant 0 : i32
    %c0_i32_0 = arith.constant 0 : i32
    %c0_i32_1 = arith.constant 0 : i32
    return %arg0, %c0_i32, %c0_i32_0 : i32, i32, i32
  }
  func.func @transform_3(%arg0: i32) -> (i32, i32) {
    %c0_i32 = arith.constant 0 : i32
    %c0_i32_0 = arith.constant 0 : i32
    return %arg0, %c0_i32 : i32, i32
  }
  func.func @transform_4(%arg0: i32) -> (i32, i32) {
    %c0_i32 = arith.constant 0 : i32
    %c0_i32_0 = arith.constant 0 : i32
    return %arg0, %c0_i32 : i32, i32
  }
}

</mosaic_0001>

<sc_bundles>
// kernel: kernel.4.cloned.1.call-start
scs
__scs_entry_jumppad:
0x0: {  	(pc) =	sbr.rel $0x88, $3  }
0x1: {  	(tag) =	ssettag $0x0;
	lr =	simm.s32 $0x1  }
0x2: {  	[smem:$0x3F9E] =	sst lr;
	_ =	strace $0xD0000000  }
0x3: {  	_ = 	snop  }
0x4: {  	_ = 	snop  }
0x5: {  	_ = 	snop  }
0x6: {  	_ = 	snop  }
0x7: {  	_ = 	snop  }
__scs_overlays_trampoline_lowered:
0x8: {  	[smem:$0x3FAD] =	sst s0  }
0x9: {  	[smem:$0x3FAE] =	sst s1  }
0xa: {  	[smem:$0x3FAF] =	sst s2  }
0xb: {  	[smem:$0x3FB0] =	sst s3  }
0xc: {  	[smem:$0x3FB1] =	sst s4  }
0xd: {  	[smem:$0x3FB2] =	sst s5  }
0xe: {  	[smem:$0x3FB3] =	sst s6  }
0xf: {  	[smem:$0x3FB4] =	sst s7  }
0x10: {  	[smem:$0x3FB5] =	sst s8  }
0x11: {  	[smem:$0x3FB6] =	sst s9;
	s0 =	simm.s32 @!p0 $0x0  }
0x12: {  	s1 =	sld [smem:$0x3F9C];
	s0 =	simm.s32 @p0 $0x1  }
0x13: {  	[smem:$0x3FB7] =	sst s0;
	s0 =	simm.s32 @!p1 $0x0  }
0x14: {  	s2 =	sld [smem:$0x3F9B];
	s0 =	simm.s32 @p1 $0x1  }
0x15: {  	[smem:$0x3FB8] =	sst s0;
	s0 =	simm.s32 @!p2 $0x0  }
0x16: {  	s3 =	sld [smem:$0x3FDB];
	s0 =	simm.s32 @p2 $0x1  }
0x17: {  	s4 =	simm.s32 $0x1BF5;
	[smem:$0x3FBA] =	sst s0  }
0x18: {  	s0 =	sld [smem:$0x3F9D];
	_ =	swait.ge [sflag:s4], $0x0  }
0x19: {  	s7 =	sld [smem:$0x3F9E]  }
0x1a: {  	s8 =	sadd.s32 $0xFFFFE003, lr  }
0x1b: {  	s9 =	sadd.s32 $0xFFFFFEF7, lr;
	s5 =	simm.s32 $0xFFFFFFFF;
	p2 =	slt.u32 s8, $0xFFFFF086  }
0x1c: {  	p1 =	slt.u32 s9, $0xF7A;
	s5 =	simm.s32 @!p2 $0x0  }
0x1d: {  	s5 =	simm.s32 @p1 $0x1;
	p0 =	seq.s32 s7, s2  }
0x1e: {  	s7 =	smul.u32 @!p0 $0xF7A, s2;
	p2 =	seq.s32 @!p0 s5, $0x0  }
0x1f: {  	s9 =	smul.u32 $0xF7A, s1;
	s8 =	simm.s32 @!p0 $0x1BF5;
	p2 =	por !p2, p0  }
0x20: {  	[sflag:s8] =	ssyncset.s32 @!p0 $0xFFFFF086;
	s6 =	sadd.s32 @!p0 s3, s7;
	s7 =	simm.s32 @!p0 $0x108  }
0x21: {  	s3 =	sadd.s32 s3, s9;
	s6 =	sadd.s32 @!p0 $0x88, s6;
	s7 =	simm.s32 @p2 $0x1082  }
0x22: {  	[simem:s7], [sflag:s8] =	dma.local @!p0 [hbm:s6], $0xF7A  }
0x23: {  	s9 =	sor.u32 $0xD0000000, s2;
	s6 =	simm.s32 $0x108;
	_ =	swait.ge @!p0 [sflag:s8], $0x0  }
0x24: {  	s3 =	sadd.s32 $0x88, s3;
	s6 =	simm.s32 @!p1 $0x1082;
	[sflag:s4] =	ssyncset.s32 $0xFFFFF086  }
0x25: {  	[simem:s6], [sflag:s4] =	dma.local [hbm:s3], $0xF7A  }
0x26: {  	[smem:$0x3F9E] =	sst s1;
	(tag) =	ssettag s2;
	_ =	strace s9  }
0x27: {  	s1 =	sld [smem:$0x3FAE]  }
0x28: {  	s2 =	sld [smem:$0x3FAF]  }
0x29: {  	s4 =	sld [smem:$0x3FB1]  }
0x2a: {  	p0 =	seq.s32 s5, $0x0;
	s5 =	sld [smem:$0x3FB2]  }
0x2b: {  	s6 =	sld [smem:$0x3FB3]  }
0x2c: {  	s7 =	sld [smem:$0x3FB4]  }
0x2d: {  	s3 =	simm.s32 $0x108;
	s8 =	sld [smem:$0x3FB5]  }
0x2e: {  	s3 =	simm.s32 @!p0 $0x1082;
	s9 =	sld [smem:$0x3FB6]  }
0x2f: {  	lr =	sadd.s32 s0, s3;
	s0 =	sld [smem:$0x3FAD]  }
0x30: {  	s3 =	sld [smem:$0x3FB0]  }
0x31: {  	[smem:$0x3FB9] =	sst s10  }
0x32: {  	s10 =	sld [smem:$0x3FB7];
	_ =	sdelay $0x3  }
0x33: {  	p0 =	seq.s32 s10, $0x1;
	s10 =	sld [smem:$0x3FB9];
	_ =	sdelay $0x3  }
0x34: {  	[smem:$0x3FB9] =	sst s10  }
0x35: {  	s10 =	sld [smem:$0x3FB8];
	_ =	sdelay $0x3  }
0x36: {  	p1 =	seq.s32 s10, $0x1;
	s10 =	sld [smem:$0x3FB9];
	_ =	sdelay $0x3  }
0x37: {  	[smem:$0x3FB9] =	sst s10  }
0x38: {  	s10 =	sld [smem:$0x3FBA]  }
0x39: {  	_ = 	snop;
	(pc) =	sbr.ind lr, $3  }
0x3a: {  	_ = 	snop  }
0x3b: {  	_ = 	snop  }
0x3c: {  	p2 =	seq.s32 s10, $0x1;
	s10 =	sld [smem:$0x3FB9]  }
0x3d: {  	_ =	shalt  }
0x3e: {  	_ =	shalt  }
0x3f: {  	_ =	shalt  }
0x40: {  	_ =	shalt  }
0x41: {  	_ =	shalt  }
0x42: {  	_ =	shalt  }
0x43: {  	_ =	shalt  }
0x44: {  	_ =	shalt  }
0x45: {  	_ =	shalt  }
0x46: {  	_ =	shalt  }
0x47: {  	_ =	shalt  }
0x48: {  	_ =	shalt  }
0x49: {  	_ =	shalt  }
0x4a: {  	_ =	shalt  }
0x4b: {  	_ =	shalt  }
0x4c: {  	_ =	shalt  }
0x4d: {  	_ =	shalt  }
0x4e: {  	_ =	shalt  }
0x4f: {  	_ =	shalt  }
0x50: {  	_ =	shalt  }
0x51: {  	_ =	shalt  }
0x52: {  	_ =	shalt  }
0x53: {  	_ =	shalt  }
0x54: {  	_ =	shalt  }
0x55: {  	_ =	shalt  }
0x56: {  	_ =	shalt  }
0x57: {  	_ =	shalt  }
0x58: {  	_ =	shalt  }
0x59: {  	_ =	shalt  }
0x5a: {  	_ =	shalt  }
0x5b: {  	_ =	shalt  }
0x5c: {  	_ =	shalt  }
0x5d: {  	_ =	shalt  }
0x5e: {  	_ =	shalt  }
0x5f: {  	_ =	shalt  }
0x60: {  	_ =	shalt  }
0x61: {  	_ =	shalt  }
0x62: {  	_ =	shalt  }
0x63: {  	_ =	shalt  }
0x64: {  	_ =	shalt  }
0x65: {  	_ =	shalt  }
0x66: {  	_ =	shalt  }
0x67: {  	_ =	shalt  }
0x68: {  	_ =	shalt  }
0x69: {  	_ =	shalt  }
0x6a: {  	_ =	shalt  }
0x6b: {  	_ =	shalt  }
0x6c: {  	_ =	shalt  }
0x6d: {  	_ =	shalt  }
0x6e: {  	_ =	shalt  }
0x6f: {  	_ =	shalt  }
0x70: {  	_ =	shalt  }
0x71: {  	_ =	shalt  }
0x72: {  	_ =	shalt  }
0x73: {  	_ =	shalt  }
0x74: {  	_ =	shalt  }
0x75: {  	_ =	shalt  }
0x76: {  	_ =	shalt  }
0x77: {  	_ =	shalt  }
0x78: {  	_ =	shalt  }
0x79: {  	_ =	shalt  }
0x7a: {  	_ =	shalt  }
0x7b: {  	_ =	shalt  }
0x7c: {  	_ =	shalt  }
0x7d: {  	_ =	shalt  }
0x7e: {  	_ =	shalt  }
0x7f: {  	_ =	shalt  }
0x80: {  	_ =	shalt  }
0x81: {  	_ =	shalt  }
0x82: {  	_ =	shalt  }
0x83: {  	_ =	shalt  }
0x84: {  	_ =	shalt  }
0x85: {  	_ =	shalt  }
0x86: {  	_ =	shalt  }
0x87: {  	_ =	shalt  }
.Lfunc_end0:
.L_simem_size_0:
called_computation_lowered:
.L_overlay_start_0:
0x88: {  	s2 =	sld [smem:$0x3FD9]  }
0x89: {  	s3 =	sld [smem:$0x3FFE];
	_ =	sdelay $0x1  }
0x8a: {  	s1 =	srdreg.scid  }
0x8b: {  	s0 =	sand.u32 $0x1, s1  }
0x8c: {  	s17 =	sshll.u32 s0, $0xA;
	s2 =	sadd.s32 s3, s2  }
0x8d: {  	s2 =	sadd.s32 s2, s17  }
0x8e: {  	[smem:$0x3FC5] =	sst s2  }
0x8f: {  	_ = 	snop  }
0x90: {  	s2 =	sld [smem:$0x3FD0];
	(tm) =	ssettm $0x1  }
0x91: {  	s18 =	sld [smem:$0x3FFB];
	_ =	sdelay $0x3  }
0x92: {  	_ =	strace s18  }
0x93: {  	s3 =	sld [smem:$0x3FFC];
	_ =	sdelay $0x3  }
0x94: {  	_ =	strace s3  }
0x95: {  	s3 =	sld [smem:$0x3FFD];
	_ =	sdelay $0x3  }
0x96: {  	_ =	strace s3  }
0x97: {  	_ =	strace $0x8FFFFFFF  }
0x98: {  	s19 =	sld [smem:$0x3FDB];
	_ =	sdelay $0x1  }
0x99: {  	s4 =	simm.s32 $_scs_section_size  }
0x9a: {  	s5 =	simm.s32 $_size__tile_overlayer_lowered;
	s6 =	simm.s32 $_tile_overlayer_lowered  }
0x9b: {  	s22 =	simm.s32 $0x1BFF;
	s21 =	sshll.u32 s6, $0x1;
	s3 =	sadd.s32 s4, s19  }
0x9c: {  	s7 =	simm.s32 $0x0;
	s20 =	sshll.u32 s5, $0x1;
	s5 =	sadd.s32 s21, s3  }
0x9d: {  	[timem:s7], [sflag:s22] =	dma.local [hbm:s5], s20  }
0x9e: {  	_ =	swait.ge [sflag:s22], s20  }
0x9f: {  	s4 =	ssub.s32 $0x0, s20;
	[sflag:s22] =	ssyncset.done $0x0  }
0xa0: {  	[sflag:s22] =	ssyncadd.s32 s4;
	_ =	sdelay $0x1  }
0xa1: {  	s23 =	simm.s32 $0x1B8B  }
0xa2: {  	_ =	swait.ge [sflag:s23], $0x1  }
0xa3: {  	[sflag:s23] =	ssyncset.done $0x0  }
0xa4: {  	s25 =	simm.s32 $0x1B8E;
	s24 =	sld [smem:$0x3FFE];
	[sflag:s23] =	ssyncadd.s32 $0xFFFFFFFF  }
0xa5: {  	s26 =	simm.s32 $execute0_lowered;
	[smem:$0x3FD2] =	sst s25  }
0xa6: {  	s5 =	sshll.u32 s26, $0x1;
	_ =	strace $0x80000046;
	[dreg:$0x1] =	wrdreg $0xFFFFFFFF  }
0xa7: {  	s28 =	simm.s32 $_size_execute0_lowered;
	s3 =	sadd.s32 s3, s5;
	[dreg:$0x0] =	wrdreg $0x0  }
0xa8: {  	s5 =	sshll.u32 s28, $0x1;
	[dreg:$0x2] =	wrdreg s3  }
0xa9: {  	[dreg:$0x3] =	wrdreg s5  }
0xaa: {  	[dreg:$0x4] =	wrdreg $0xC0  }
0xab: {  	_ =	task [dreg:s7], $0x5FFFF  }
0xac: {  	[dreg:$0x1] =	wrdreg $0xFFFFFFFF  }
0xad: {  	[dreg:$0x0] =	wrdreg $0x60  }
0xae: {  	[dreg:$0x2] =	wrdreg s24  }
0xaf: {  	[dreg:$0x3] =	wrdreg s2  }
0xb0: {  	[dreg:$0x4] =	wrdreg $0x46000  }
0xb1: {  	[dreg:$0x5] =	wrdreg $0x1CCA00  }
0xb2: {  	[dreg:$0x6] =	wrdreg $0x9  }
0xb3: {  	_ =	task.clear_ibuf [dreg:s7], $0x7FFFF;
	_ =	strace $0x90000046  }
0xb4: {  	s29 =	simm.s32 $0x9;
	_ =	strace $0x80000048  }
0xb5: {  	_ =	swait.ge [sflag:s29], $0x1  }
0xb6: {  	[sflag:s29] =	ssyncadd.s32 $0xFFFFFFFF  }
0xb7: {  	_ =	strace $0x90000048  }
0xb8: {  	_ =	sfence  }
0xb9: {  	s30 =	sld [smem:$0x0];
	_ =	sdelay $0x2  }
0xba: {  	s31 =	sshll.u32 s1, $0xD;
	s1 =	sshrl.u32 s1, $0x2  }
0xbb: {  	s3 =	sand.u32 $0x4000, s31;
	s1 =	sadd.s32 s1, s30  }
0xbc: {  	s0 =	sor.u32 s3, s0;
	s1 =	sshll.u32 s1, $0x11  }
0xbd: {  	s0 =	sor.u32 s1, s0  }
0xbe: {  	s0 =	sadd.s32 $0x8F2B, s0  }
0xbf: {  	[sflag:s0] =	ssyncadd.remote.s32 $0x1  }
0xc0: {  	_ =	sfence.sel $0xFFFF  }
0xc1: {  	[dreg:$0x0] =	wrdreg $0xFFFFFFFF;
	(pc) =	sbr.abs _section_cstart, $3  }
0xc2: {  	[dreg:$0x1] =	wrdreg $0xFFFFFFFF  }
0xc3: {  	_ =	task.clear_ibuf [dreg:s7], $0x2FFFF;
	_ =	strace $0x9FFFFFFF  }
0xc4: {  	(tm) =	ssettm $0x7FFFFFFF  }
0xc5: {  	_ =	shalt  }
tec
execute0_lowered:
.L_overlay_start_1:
0x0: {  	(tag) =	ssettag $0x1  }
0x1: {  	s0 =	rddreg [dreg:$0x0]  }
0x2: {  	s6 =	rddreg [dreg:$0x1]  }
0x3: {  	s1 =	rddreg [dreg:$0x2]  }
0x4: {  	s2 =	rddreg [dreg:$0x3];
	s3 =	simm.s32 $0x0;
	s5 =	srdreg.scid  }
0x5: {  	s19 =	stileid.u32;
	s28 =	simm.s32 $0x200;
	s29 =	simm.s32 $0x2400  }
0x6: {  	s30 =	simm.s32 $0x4400;
	s31 =	simm.s32 $0x2;
	[smem:$0x7FF] =	sst s3  }
0x7: {  	s4 =	sadd.s32 $0x1000, s0;
	s8 =	sand.u32 $0x1, s5;
	s7 =	smul.u32 $0x1870, s19  }
0x8: {  	s5 =	sadd.s32 $0x30D5000, s0;
	s11 =	smul.u32 $0x18700, s19;
	s15 =	sadd.s32 $0x65E00, s0  }
0x9: {  	_ =	strace $0x80000047;
	s9 =	sshll.u32 s8, $0x4;
	s22 =	smul.u32 $0x186A0, s8  }
0xa: {  	s10 =	ssub.s32 $0x2, s8;
	p2 =	seq.s32 s8, $0x1;
	s8 =	smul.u32 $0x186C00, s8  }
0xb: {  	s9 =	sor.u32 s19, s9;
	s12 =	sshrl.u32 s7, $0x3;
	s13 =	sshrl.u32 s10, $0x1  }
0xc: {  	s23 =	sadd.s32 s11, s1;
	s24 =	sshrl.u32 s11, $0x3;
	s7 =	sadd.s32 s7, s2  }
0xd: {  	s9 =	smul.u32 $0x186A, s9;
	s16 =	sadd.s32 s12, s0;
	s13 =	ssub.s32 s10, s13  }
0xe: {  	[dreg:$0x5] =	wrdreg s23;
	s10 =	sadd.s32 s6, s24;
	s12 =	simm.s32 $0x1  }
0xf: {  	s23 =	sadd.s32 $0x16E900, s1;
	s24 =	smul.u32 $0x186A, s19;
	[dreg:$0x6] =	wrdreg s10  }
0x10: {  	s6 =	sadd.s32 $0x2DD20, s6;
	s11 =	sadd.s32 s11, s8;
	[dreg:$0x8] =	wrdreg s23  }
0x11: {  	s8 =	sshrl.u32 s8, $0x3;
	s21 =	sadd.s32 $0x62C00, s16;
	[dreg:$0x9] =	wrdreg s6  }
0x12: {  	s11 =	sshrl.u32 s11, $0x3;
	s8 =	sadd.s32 s15, s8;
	s25 =	sadd.s32 $0x186A, s9  }
0x13: {  	s9 =	sshrl.u32 s9, $0x5;
	[dreg:$0x7] =	wrdreg s21;
	s11 =	sadd.s32 s15, s11  }
0x14: {  	s8 =	sadd.s32 $0x2DD20, s8;
	s17 =	sshrl.u32 s25, $0x5;
	[dreg:$0xb] =	wrdreg s11  }
0x15: {  	[dreg:$0x10] =	wrdreg s8;
	s26 =	ssub.s32 s17, s9;
	p0 =	sne.s32 s17, s9  }
0x16: {  	s14 =	sshra.s32 s26, $0x1F;
	s12 =	simm.s32 @!p0 $0x0;
	s18 =	sand.u32 $0x8000, s26  }
0x17: {  	s20 =	sand.u32 $0x1, s26;
	s12 =	sor.u32 s12, s14;
	s18 =	sshrl.u32 s18, $0xF  }
0x18: {  	p1 =	seq.s32 s20, $0x1;
	s20 =	sadd.s32 s24, s22;
	s14 =	simm.s32 $0x1  }
0x19: {  	s24 =	sadd.s32 $0xC7A00, s16;
	p6 =	sne.s32 s12, $0x1;
	s10 =	sadd.s32 s18, s26  }
0x1a: {  	s12 =	simm.s32 $0x1;
	s26 =	sadd.s32 $0x659D2, s0;
	p0 =	por !p6, !p1  }
0x1b: {  	[dreg:$0xe] =	wrdreg s24;
	s10 =	sshll.u32 s10, $0x10;
	p0 =	por !p0, !p0  }
0x1c: {  	p1 =	seq.s32 s19, $0xF;
	s10 =	sshra.s32 s10, $0x11;
	s12 =	simm.s32 @!p0 $0x0  }
0x1d: {  	[dreg:$0xa] =	wrdreg s26;
	p4 =	por p2, !p1;
	s10 =	ssub.s32 s10, s12  }
0x1e: {  	p5 =	por !p2, p1;
	p6 =	por p2, p1;
	s25 =	sshll.u32 s10, $0x1  }
0x1f: {  	s12 =	sadd.s32 $0x16E90, s2;
	p3 =	slt.s32 s10, $0x1;
	s6 =	sadd.s32 s9, s25  }
0x20: {  	s9 =	sshrl.u32 s20, $0x5;
	s25 =	sadd.s32 $0xCAC00, s16;
	p0 =	sge.s32 s6, s17  }
0x21: {  	s21 =	sshll.u32 s6, $0x6;
	s6 =	sshll.u32 s6, $0xA;
	s22 =	sshll.u32 s9, $0xA  }
0x22: {  	[dreg:$0xf] =	wrdreg s25;
	s26 =	sshll.u32 s9, $0x6;
	s17 =	sand.u32 $0x1FFFFFC0, s21  }
0x23: {  	s6 =	sand.u32 $0x1FFFFC00, s6;
	s21 =	sadd.s32 $0xCA7D2, s0;
	s23 =	sadd.s32 s4, s17  }
0x24: {  	s6 =	sadd.s32 s5, s6;
	s5 =	sadd.s32 s22, s5;
	s4 =	sadd.s32 s26, s4  }
0x25: {  	s22 =	sadd.s32 $0xCD9D2, s0;
	s0 =	simm.s32 @!p3 $0x0;
	[dreg:$0xc] =	wrdreg s23  }
.Ltmp0:
0x26: {  	s26 =	simm.s32 $0x400;
	[dreg:$0xd] =	wrdreg s6;
	(pc) =	sbr.rel .LBB2_1-.Ltmp0, $4  }
0x27: {  	s23 =	smax.u32 s13, $0x1;
	s0 =	simm.s32 @p3 $0x1;
	p3 =	por !p2, !p1  }
0x28: {  	s16 =	sadd.s32 $0x400, s5;
	[smem:$0x7FC] =	sst s0;
	s0 =	simm.s32 @!p3 $0x0  }
0x29: {  	s17 =	sadd.s32 $0x40, s4;
	s4 =	simm.s32 $0x4;
	s0 =	simm.s32 @p3 $0x1  }
0x2a: {  	v0 =	vimm.f32 $1.000000000e+00;
	s5 =	simm.s32 $0x0;
	[smem:$0x7FD] =	sst s0;
	s0 =	simm.s32 $0x3  }
.LBB2_4:
0x2b: {  	p3 =	por $0x1, $0x1  }
.LBB2_7:
0x2c: {  	s18 =	sadd.s32 $0xFFFFFFC0, s25;
	[sflag:s4] =	ssyncadd.s32 @p3 $0xFFFFFE00  }
0x2d: {  	[tilespmem:s3], [sflag:$0x1] =	stream.linear.gather [hbm4b:s18+s3], $0x200, $0x38;
	[tilespmem:$0x1E510] =	vst v63  }
0x2e: {  	s20 =	sadd.s32 $0xFFFFFC00, s24  }
0x2f: {  	[tilespmem:s26], [sflag:$0x1] =	stream.linear.gather [hbm4b:s20+s3], $0x2000, $0x38;
	[tilespmem:$0x1E510] =	vst v63  }
0x30: {  	_ = 	snop  }
0x31: {  	[tilespmem:s28], [sflag:$0x2] =	stream.linear.gather [hbm4b:s25+s3], $0x200, $0x38;
	[tilespmem:$0x1E510] =	vst v63  }
0x32: {  	_ = 	snop  }
0x33: {  	[tilespmem:s29], [sflag:$0x2] =	stream.linear.gather [hbm4b:s24+s3], $0x2000, $0x38;
	[tilespmem:$0x1E510] =	vst v63  }
0x34: {  	_ =	swait.ge [sflag:s14], $0x200  }
0x35: {  	[sflag:s14] =	ssyncset.done $0x0  }
0x36: {  	[sflag:s14] =	ssyncadd.s32 $0xFFFFFE00  }
0x37: {  	[spmem:s2] =	stream.indirect.scatter.add.f32 [tilespmem:s30], [sflag:$0x3], $0x1, s3, s28, $0xb8;
	[tilespmem:$0x1E510] =	vst v63  }
0x38: {  	_ =	swait.ge [sflag:s14], $0x2000  }
0x39: {  	[sflag:s14] =	ssyncset.done $0x0  }
0x3a: {  	[sflag:s14] =	ssyncadd.s32 $0xFFFFE000  }
0x3b: {  	[spmem:s1] =	stream.indirect.scatter.add.f32 [tilespmem:s26], [sflag:$0x3], $0x10, s3, s28, $0xb8;
	[tilespmem:$0x1E510] =	vst v63  }
0x3c: {  	_ =	swait.ge [sflag:s31], $0x200  }
0x3d: {  	[sflag:s31] =	ssyncset.done $0x0  }
0x3e: {  	[sflag:s31] =	ssyncadd.s32 $0xFFFFFE00  }
0x3f: {  	[spmem:s2] =	stream.indirect.scatter.add.f32 [tilespmem:s30], [sflag:$0x4], $0x1, s28, s28, $0xb8;
	[tilespmem:$0x1E510] =	vst v63  }
0x40: {  	_ =	swait.ge [sflag:s31], $0x2000  }
0x41: {  	[sflag:s31] =	ssyncset.done $0x0  }
0x42: {  	[sflag:s31] =	ssyncadd.s32 $0xFFFFE000  }
0x43: {  	[spmem:s1] =	stream.indirect.scatter.add.f32 [tilespmem:s29], [sflag:$0x4], $0x10, s28, s28, $0xb8;
	[tilespmem:$0x1E510] =	vst v63  }
0x44: {  	_ =	swait.ge [sflag:s0], $0x2000  }
0x45: {  	[sflag:s0] =	ssyncset.done $0x0  }
0x46: {  	[sflag:s0] =	ssyncadd.s32 $0xFFFFE000  }
0x47: {  	_ =	swait.ge [sflag:s0], $0x200  }
0x48: {  	[sflag:s0] =	ssyncset.done $0x0  }
0x49: {  	[sflag:s0] =	ssyncadd.s32 $0xFFFFFE00  }
0x4a: {  	_ =	swait.ge [sflag:s4], $0x2000  }
0x4b: {  	[sflag:s4] =	ssyncset.done $0x0  }
0x4c: {  	[sflag:s4] =	ssyncadd.s32 $0xFFFFE000  }
0x4d: {  	_ =	swait.ge [sflag:s4], $0x200  }
0x4e: {  	[sflag:s4] =	ssyncset.done $0x0  }
0x4f: {  	[sflag:s4] =	ssyncadd.s32 $0xFFFFFE00  }
.LBB2_8:
0x50: {  	s18 =	simm.s32 @!p0 $0x0;
	s19 =	rddreg [dreg:$0xc]  }
0x51: {  	[tilespmem:s18], [sflag:$0x1] =	stream.linear.gather @!p0 [hbm4b:s19+s18], $0x200, $0x38;
	[tilespmem:$0x1E510] =	vst v63  }
0x52: {  	s20 =	rddreg [dreg:$0xd];
	s24 =	simm.s32 @!p0 $0x1;
	s19 =	simm.s32 @!p0 $0x400  }
0x53: {  	[tilespmem:s19], [sflag:$0x1] =	stream.linear.gather @!p0 [hbm4b:s20+s18], $0x2000, $0x38;
	[tilespmem:$0x1E510] =	vst v63  }
0x54: {  	_ =	swait.ge @!p0 [sflag:s24], $0x200  }
0x55: {  	[sflag:s24] =	ssyncset.done @!p0 $0x0  }
0x56: {  	s25 =	simm.s32 @!p0 $0x200;
	s20 =	simm.s32 @!p0 $0x4400;
	[sflag:s24] =	ssyncadd.s32 @!p0 $0xFFFFFE00  }
0x57: {  	[spmem:s2] =	stream.indirect.scatter.add.f32 @!p0 [tilespmem:s20], [sflag:$0x3], $0x1, s18, s25, $0xb8;
	[tilespmem:$0x1E510] =	vst v63  }
0x58: {  	_ =	swait.ge @!p0 [sflag:s24], $0x2000  }
0x59: {  	[sflag:s24] =	ssyncset.done @!p0 $0x0  }
0x5a: {  	[sflag:s24] =	ssyncadd.s32 @!p0 $0xFFFFE000  }
0x5b: {  	[spmem:s1] =	stream.indirect.scatter.add.f32 @!p0 [tilespmem:s19], [sflag:$0x3], $0x10, s18, s25, $0xb8;
	[tilespmem:$0x1E510] =	vst v63  }
0x5c: {  	s18 =	simm.s32 @!p0 $0x3  }
0x5d: {  	_ =	swait.ge @!p0 [sflag:s18], $0x2000  }
0x5e: {  	[sflag:s18] =	ssyncset.done @!p0 $0x0  }
0x5f: {  	[sflag:s18] =	ssyncadd.s32 @!p0 $0xFFFFE000  }
0x60: {  	_ =	swait.ge @!p0 [sflag:s18], $0x200  }
0x61: {  	[sflag:s18] =	ssyncset.done @!p0 $0x0  }
0x62: {  	[sflag:s18] =	ssyncadd.s32 @!p0 $0xFFFFFE00  }
0x63: {  	[bflag:$0x0] =	sbarrier.arrive $0xFFFF  }
0x64: {  	s18 =	rddreg [dreg:$0x10]  }
0x65: {  	[hbm:s18], [sflag:s8] =	dma.local @p1 [spmem:s13], $0x3020  }
0x66: {  	_ =	swait.ge @p1 [sflag:s15], $0x3020  }
0x67: {  	s25 =	sld [smem:$0x7FD];
	_ =	sdelay $0x2  }
0x68: {  	[sflag:s15] =	ssyncset.done @p1 $0x0;
	p2 =	seq.s32 s25, $0x1  }
0x69: {  	[sflag:s15] =	ssyncadd.s32 @p1 $0xFFFFCFE0;
	s13 =	sshrl.u32 @!p2 s12, $0x3  }
0x6a: {  	[hbm:s22], [sflag:s8] =	dma.local @!p2 [spmem:s13], $0x302  }
0x6b: {  	s13 =	simm.s32 @!p2 $0x5  }
0x6c: {  	_ =	swait.ge @!p2 [sflag:s13], $0x302  }
0x6d: {  	[sflag:s13] =	ssyncset.done @!p2 $0x0  }
0x6e: {  	[sflag:s13] =	ssyncadd.s32 @!p2 $0xFFFFFCFE;
	s13 =	sshrl.u32 @!p4 s12, $0x3  }
0x6f: {  	[hbm:s21], [sflag:s8] =	dma.local @!p4 [spmem:s13], $0x302  }
0x70: {  	s8 =	simm.s32 @!p4 $0x5  }
0x71: {  	_ =	swait.ge @!p4 [sflag:s8], $0x302  }
0x72: {  	[sflag:s8] =	ssyncset.done @!p4 $0x0  }
0x73: {  	[sflag:s8] =	ssyncadd.s32 @!p4 $0xFFFFFCFE;
	s8 =	rddreg [dreg:$0xb]  }
0x74: {  	[hbm:s8], [sflag:s6] =	dma.local @!p1 [spmem:s11], $0x30E0  }
0x75: {  	_ =	swait.ge @!p1 [sflag:s9], $0x30E0  }
0x76: {  	[sflag:s9] =	ssyncset.done @!p1 $0x0  }
0x77: {  	s8 =	sshrl.u32 @!p5 s7, $0x3;
	[sflag:s9] =	ssyncadd.s32 @!p1 $0xFFFFCF20;
	s9 =	rddreg [dreg:$0xf]  }
0x78: {  	[hbm:s9], [sflag:s6] =	dma.local @!p5 [spmem:s8], $0x30E  }
0x79: {  	s8 =	simm.s32 @!p5 $0x5  }
0x7a: {  	s5 =	sadd.s32 $0x1, s5;
	_ =	swait.ge @!p5 [sflag:s8], $0x30E  }
0x7b: {  	p2 =	sne.s32 s5, s23;
	[sflag:s8] =	ssyncset.done @!p5 $0x0  }
0x7c: {  	s9 =	rddreg [dreg:$0xe];
	[sflag:s8] =	ssyncadd.s32 @!p5 $0xFFFFFCF2;
	s8 =	sshrl.u32 @!p6 s7, $0x3  }
0x7d: {  	[hbm:s9], [sflag:s6] =	dma.local @!p6 [spmem:s8], $0x30E  }
.Ltmp1:
0x7e: {  	_ = 	snop;
	(pc) =	sbr.rel @!p2 .LBB2_9-.Ltmp1, $4  }
0x7f: {  	s6 =	simm.s32 @!p6 $0x5  }
0x80: {  	_ =	swait.ge @!p6 [sflag:s6], $0x30E  }
0x81: {  	[sflag:s6] =	ssyncset.done @!p6 $0x0  }
0x82: {  	[sflag:s6] =	ssyncadd.s32 @!p6 $0xFFFFFCF2  }
.LBB2_1:
0x83: {  	[tilespmem:$0x4400] =	vst v0  }
0x84: {  	[tilespmem:$0x4410] =	vst v0  }
0x85: {  	[tilespmem:$0x4420] =	vst v0  }
0x86: {  	[tilespmem:$0x4430] =	vst v0  }
0x87: {  	[tilespmem:$0x4440] =	vst v0  }
0x88: {  	[tilespmem:$0x4450] =	vst v0  }
0x89: {  	[tilespmem:$0x4460] =	vst v0  }
0x8a: {  	[tilespmem:$0x4470] =	vst v0  }
0x8b: {  	[tilespmem:$0x4480] =	vst v0  }
0x8c: {  	[tilespmem:$0x4490] =	vst v0  }
0x8d: {  	[tilespmem:$0x44A0] =	vst v0  }
0x8e: {  	[tilespmem:$0x44B0] =	vst v0  }
0x8f: {  	[tilespmem:$0x44C0] =	vst v0  }
0x90: {  	[tilespmem:$0x44D0] =	vst v0  }
0x91: {  	[tilespmem:$0x44E0] =	vst v0  }
0x92: {  	[tilespmem:$0x44F0] =	vst v0  }
0x93: {  	[tilespmem:$0x4500] =	vst v0  }
0x94: {  	[tilespmem:$0x4510] =	vst v0  }
0x95: {  	[tilespmem:$0x4520] =	vst v0  }
0x96: {  	[tilespmem:$0x4530] =	vst v0  }
0x97: {  	[tilespmem:$0x4540] =	vst v0  }
0x98: {  	[tilespmem:$0x4550] =	vst v0  }
0x99: {  	[tilespmem:$0x4560] =	vst v0  }
0x9a: {  	[tilespmem:$0x4570] =	vst v0  }
0x9b: {  	[tilespmem:$0x4580] =	vst v0  }
0x9c: {  	[tilespmem:$0x4590] =	vst v0  }
0x9d: {  	[tilespmem:$0x45A0] =	vst v0  }
0x9e: {  	[tilespmem:$0x45B0] =	vst v0  }
0x9f: {  	[tilespmem:$0x45C0] =	vst v0  }
0xa0: {  	[tilespmem:$0x45D0] =	vst v0  }
0xa1: {  	[tilespmem:$0x45E0] =	vst v0;
	s6 =	rddreg [dreg:$0x8];
	s8 =	simm.s32 @p1 $0x1FC5  }
0xa2: {  	[tilespmem:$0x45F0] =	vst v0;
	s15 =	simm.s32 @p1 $0x5;
	s13 =	sshrl.u32 @p1 s6, $0x3;
	s6 =	rddreg [dreg:$0x9]  }
0xa3: {  	[spmem:s13], [sflag:s8] =	dma.local @p1 [hbm:s6], $0x3020  }
0xa4: {  	_ =	swait.ge @p1 [sflag:s15], $0x3020  }
0xa5: {  	[sflag:s15] =	ssyncset.done @p1 $0x0  }
0xa6: {  	s6 =	sshrl.u32 @p1 s12, $0x3;
	s9 =	rddreg [dreg:$0xa];
	[sflag:s15] =	ssyncadd.s32 @p1 $0xFFFFCFE0  }
0xa7: {  	[spmem:s6], [sflag:s8] =	dma.local @p1 [hbm:s9], $0x302  }
0xa8: {  	s6 =	stileid.u32  }
0xa9: {  	_ =	swait.ge @p1 [sflag:s15], $0x302;
	s6 =	sshll.u32 @!p1 s6, $0x6  }
0xaa: {  	[sflag:s15] =	ssyncset.done @p1 $0x0;
	s6 =	sor.u32 @!p1 $0x1C05, s6;
	s9 =	rddreg [dreg:$0x5]  }
0xab: {  	[sflag:s15] =	ssyncadd.s32 @p1 $0xFFFFFCFE;
	s11 =	sshrl.u32 @!p1 s9, $0x3;
	s9 =	rddreg [dreg:$0x6]  }
0xac: {  	[spmem:s11], [sflag:s6] =	dma.local @!p1 [hbm:s9], $0x30E0  }
0xad: {  	s9 =	simm.s32 @!p1 $0x5  }
0xae: {  	_ =	swait.ge @!p1 [sflag:s9], $0x30E0  }
0xaf: {  	[sflag:s9] =	ssyncset.done @!p1 $0x0  }
0xb0: {  	s18 =	sshrl.u32 @!p1 s7, $0x3;
	s19 =	rddreg [dreg:$0x7];
	[sflag:s9] =	ssyncadd.s32 @!p1 $0xFFFFCF20  }
0xb1: {  	[spmem:s18], [sflag:s6] =	dma.local @!p1 [hbm:s19], $0x30E  }
0xb2: {  	_ =	swait.ge @!p1 [sflag:s9], $0x30E  }
0xb3: {  	[sflag:s9] =	ssyncset.done @!p1 $0x0  }
0xb4: {  	[sflag:s9] =	ssyncadd.s32 @!p1 $0xFFFFFCF2  }
0xb5: {  	[bflag:$0x0] =	sbarrier.arrive $0xFFFF  }
0xb6: {  	s25 =	sld [smem:$0x7FC];
	_ =	sdelay $0x2  }
0xb7: {  	p2 =	seq.s32 s25, $0x1  }
.Ltmp2:
0xb8: {  	_ = 	snop;
	(pc) =	sbr.rel @p2 .LBB2_8-.Ltmp2, $1  }
0xb9: {  	_ =	sdelay $0x3  }
0xba: {  	s18 =	sadd.s32 $0x1, s3  }
0xbb: {  	p2 =	slt.s32 s18, s10  }
.Ltmp3:
0xbc: {  	_ = 	snop;
	(pc) =	sbr.rel @!p2 .LBB2_7-.Ltmp3, $2  }
0xbd: {  	_ =	sdelay $0x2  }
0xbe: {  	p3 =	por $0x0, $0x0;
	s25 =	smov.u32 s17;
	s24 =	smov.u32 s16  }
0xbf: {  	s24 =	sadd.s32 $0xFFFFFFC0, s17  }
0xc0: {  	[tilespmem:s3], [sflag:$0x1] =	stream.linear.gather [hbm4b:s24+s3], $0x200, $0x38;
	[tilespmem:$0x1E510] =	vst v63  }
0xc1: {  	s25 =	sadd.s32 $0xFFFFFC00, s16  }
0xc2: {  	[tilespmem:s26], [sflag:$0x1] =	stream.linear.gather [hbm4b:s25+s3], $0x2000, $0x38;
	[tilespmem:$0x1E510] =	vst v63  }
0xc3: {  	_ = 	snop  }
0xc4: {  	[tilespmem:s28], [sflag:$0x2] =	stream.linear.gather [hbm4b:s17+s3], $0x200, $0x38;
	[tilespmem:$0x1E510] =	vst v63  }
0xc5: {  	_ = 	snop  }
0xc6: {  	[tilespmem:s29], [sflag:$0x2] =	stream.linear.gather [hbm4b:s16+s3], $0x2000, $0x38;
	[tilespmem:$0x1E510] =	vst v63  }
0xc7: {  	_ =	swait.ge [sflag:s14], $0x200  }
0xc8: {  	[sflag:s14] =	ssyncset.done $0x0  }
0xc9: {  	[sflag:s14] =	ssyncadd.s32 $0xFFFFFE00  }
0xca: {  	[spmem:s2] =	stream.indirect.scatter.add.f32 [tilespmem:s30], [sflag:$0x3], $0x1, s3, s28, $0xb8;
	[tilespmem:$0x1E510] =	vst v63  }
0xcb: {  	_ =	swait.ge [sflag:s14], $0x2000  }
0xcc: {  	[sflag:s14] =	ssyncset.done $0x0  }
0xcd: {  	[sflag:s14] =	ssyncadd.s32 $0xFFFFE000  }
0xce: {  	[spmem:s1] =	stream.indirect.scatter.add.f32 [tilespmem:s26], [sflag:$0x3], $0x10, s3, s28, $0xb8;
	[tilespmem:$0x1E510] =	vst v63  }
0xcf: {  	_ =	swait.ge [sflag:s31], $0x200  }
0xd0: {  	[sflag:s31] =	ssyncset.done $0x0  }
0xd1: {  	[sflag:s31] =	ssyncadd.s32 $0xFFFFFE00  }
0xd2: {  	[spmem:s2] =	stream.indirect.scatter.add.f32 [tilespmem:s30], [sflag:$0x4], $0x1, s28, s28, $0xb8;
	[tilespmem:$0x1E510] =	vst v63  }
0xd3: {  	_ =	swait.ge [sflag:s31], $0x2000  }
0xd4: {  	[sflag:s31] =	ssyncset.done $0x0  }
0xd5: {  	[sflag:s31] =	ssyncadd.s32 $0xFFFFE000  }
0xd6: {  	[spmem:s1] =	stream.indirect.scatter.add.f32 [tilespmem:s29], [sflag:$0x4], $0x10, s28, s28, $0xb8;
	[tilespmem:$0x1E510] =	vst v63  }
0xd7: {  	_ =	swait.ge [sflag:s0], $0x2000  }
0xd8: {  	[sflag:s0] =	ssyncset.done $0x0  }
0xd9: {  	[sflag:s0] =	ssyncadd.s32 $0xFFFFE000  }
0xda: {  	_ =	swait.ge [sflag:s0], $0x200  }
0xdb: {  	s18 =	sadd.s32 $0x1, s18;
	[sflag:s0] =	ssyncset.done $0x0  }
0xdc: {  	p2 =	slt.s32 s18, s10;
	[sflag:s0] =	ssyncadd.s32 $0xFFFFFE00  }
.Ltmp4:
0xdd: {  	_ =	swait.ge [sflag:s4], $0x2000;
	(pc) =	sbr.rel @!p2 .LBB2_4-.Ltmp4, $4  }
0xde: {  	[sflag:s4] =	ssyncset.done $0x0  }
0xdf: {  	[sflag:s4] =	ssyncadd.s32 $0xFFFFE000  }
0xe0: {  	_ =	swait.ge [sflag:s4], $0x200  }
0xe1: {  	s24 =	sadd.s32 $0x800, s16;
	s25 =	sadd.s32 $0x80, s17;
	[sflag:s4] =	ssyncset.done $0x0  }
.LBB2_5:
0xe2: {  	s18 =	sadd.s32 $0x1, s18;
	s19 =	sadd.s32 $0xFFFFFFC0, s25;
	[sflag:s4] =	ssyncadd.s32 $0xFFFFFE00  }
0xe3: {  	[tilespmem:s3], [sflag:$0x1] =	stream.linear.gather [hbm4b:s19+s3], $0x200, $0x38;
	[tilespmem:$0x1E510] =	vst v63  }
0xe4: {  	p2 =	slt.s32 s18, s10;
	s19 =	sadd.s32 $0xFFFFFC00, s24  }
0xe5: {  	[tilespmem:s26], [sflag:$0x1] =	stream.linear.gather [hbm4b:s19+s3], $0x2000, $0x38;
	[tilespmem:$0x1E510] =	vst v63  }
0xe6: {  	_ = 	snop  }
0xe7: {  	[tilespmem:s28], [sflag:$0x2] =	stream.linear.gather [hbm4b:s25+s3], $0x200, $0x38;
	[tilespmem:$0x1E510] =	vst v63  }
0xe8: {  	_ = 	snop  }
0xe9: {  	[tilespmem:s29], [sflag:$0x2] =	stream.linear.gather [hbm4b:s24+s3], $0x2000, $0x38;
	[tilespmem:$0x1E510] =	vst v63  }
0xea: {  	_ =	swait.ge [sflag:s14], $0x200  }
0xeb: {  	[sflag:s14] =	ssyncset.done $0x0  }
0xec: {  	[sflag:s14] =	ssyncadd.s32 $0xFFFFFE00  }
0xed: {  	[spmem:s2] =	stream.indirect.scatter.add.f32 [tilespmem:s30], [sflag:$0x3], $0x1, s3, s28, $0xb8;
	[tilespmem:$0x1E510] =	vst v63  }
0xee: {  	_ =	swait.ge [sflag:s14], $0x2000  }
0xef: {  	[sflag:s14] =	ssyncset.done $0x0  }
0xf0: {  	[sflag:s14] =	ssyncadd.s32 $0xFFFFE000  }
0xf1: {  	[spmem:s1] =	stream.indirect.scatter.add.f32 [tilespmem:s26], [sflag:$0x3], $0x10, s3, s28, $0xb8;
	[tilespmem:$0x1E510] =	vst v63  }
0xf2: {  	_ =	swait.ge [sflag:s31], $0x200  }
0xf3: {  	[sflag:s31] =	ssyncset.done $0x0  }
0xf4: {  	[sflag:s31] =	ssyncadd.s32 $0xFFFFFE00  }
0xf5: {  	[spmem:s2] =	stream.indirect.scatter.add.f32 [tilespmem:s30], [sflag:$0x4], $0x1, s28, s28, $0xb8;
	[tilespmem:$0x1E510] =	vst v63  }
0xf6: {  	_ =	swait.ge [sflag:s31], $0x2000  }
0xf7: {  	[sflag:s31] =	ssyncset.done $0x0  }
0xf8: {  	[sflag:s31] =	ssyncadd.s32 $0xFFFFE000  }
0xf9: {  	[spmem:s1] =	stream.indirect.scatter.add.f32 [tilespmem:s29], [sflag:$0x4], $0x10, s28, s28, $0xb8;
	[tilespmem:$0x1E510] =	vst v63  }
0xfa: {  	_ =	swait.ge [sflag:s0], $0x2000  }
0xfb: {  	[sflag:s0] =	ssyncset.done $0x0  }
0xfc: {  	[sflag:s0] =	ssyncadd.s32 $0xFFFFE000  }
0xfd: {  	_ =	swait.ge [sflag:s0], $0x200  }
0xfe: {  	[sflag:s0] =	ssyncset.done $0x0  }
0xff: {  	[sflag:s0] =	ssyncadd.s32 $0xFFFFFE00  }
.Ltmp5:
0x100: {  	_ =	swait.ge [sflag:s4], $0x2000;
	(pc) =	sbr.rel @p2 .LBB2_5-.Ltmp5, $4  }
0x101: {  	[sflag:s4] =	ssyncset.done $0x0  }
0x102: {  	[sflag:s4] =	ssyncadd.s32 $0xFFFFE000  }
0x103: {  	_ =	swait.ge [sflag:s4], $0x200  }
0x104: {  	s25 =	sadd.s32 $0x80, s25;
	s24 =	sadd.s32 $0x800, s24;
	[sflag:s4] =	ssyncset.done $0x0  }
.Ltmp6:
0x105: {  	(pc) =	sbr.rel .LBB2_7-.Ltmp6, $2  }
0x106: {  	_ =	sdelay $0x2  }
0x107: {  	p3 =	por $0x1, $0x1  }
.LBB2_9:
0x108: {  	_ =	sfence.sel $0x180000  }
0x109: {  	[bflag:$0x0] =	sbarrier.arrive $0xFFFF  }
0x10a: {  	_ =	strace $0x90000047  }
0x10b: {  	s0 =	stileid.u32;
	[bflag:$0x2] =	sbarrier.arrive $0xFFFF  }
0x10c: {  	p0 =	sne.s32 s0, $0x0;
	s0 =	rddreg [dreg:$0x4]  }
0x10d: {  	s0 =	sadd.s32 @!p0 $0x100000, s0  }
0x10e: {  	[sflag:s0] =	ssyncadd.tile.s32 @!p0 $0x1;
	_ =	shalt  }
.Lfunc_end2:
_tile_overlayer_lowered:
.L_overlay_start_2:
0x10f: {  	(tag) =	ssettag $0x2  }
0x110: {  	s0 =	rddreg [dreg:$0x0];
	s2 =	stileid.u32  }
0x111: {  	s1 =	rddreg [dreg:$0x1];
	p0 =	sne.s32 s2, $0x0  }
0x112: {  	s3 =	rddreg [dreg:$0x2];
	[bflag:$0x3] =	sbarrier.arrive $0xFFFF;
	s2 =	simm.s32 @!p0 $0x1C05  }
0x113: {  	[timem:s3], [sflag:s2] =	dma.local @!p0 [hbm:s0], s1  }
0x114: {  	s0 =	simm.s32 @!p0 $0x5  }
0x115: {  	_ =	swait.ge @!p0 [sflag:s0], s1  }
0x116: {  	s1 =	ssub.s32 @!p0 $0x0, s1;
	[sflag:s0] =	ssyncset.done @!p0 $0x0  }
0x117: {  	[sflag:s0] =	ssyncadd.s32 @!p0 s1  }
0x118: {  	[bflag:$0x3] =	sbarrier.arrive $0xFFFF  }
0x119: {  	_ =	shalt  }

</sc_bundles>
